<compile_context>
chip_gen: v7x
topology: tpu7x:2x2x1
jax: 0.10.2.dev20260603
libtpu: 0.0.44.dev20260713+nightly
codegen_flags: <defaults>
</compile_context>

<pallas_src>
import jax
import jax.numpy as jnp
from jax import lax
from jax.experimental import pallas as pl
from jax.experimental.pallas import tpu as pltpu
from jax.experimental.pallas import tpu_sc as plsc

N_ENTS = 10000
N_EDGES = 320000
H = 128
NEG_SLOPE = (1.0 / 8.0 + 1.0 / 3.0) / 2.0

NC, NS = 2, 16
NW = NC * NS
CH = 80
NCH = 125
E_PAD = NW * NCH * CH
ACC_N = 10240
ROWS_PER_SUB = ACC_N // NS
ZCH = 128
NZ = ROWS_PER_SUB // ZCH
DEG_BLK = 8000


def _normalize_body(x_ref, o_ref):
    x = x_ref[...]
    n = jnp.sqrt(jnp.sum(x * x, axis=1, keepdims=True))
    o_ref[...] = x / jnp.maximum(n, 1e-12)


def _l2_normalize_tc(x):
    blk = 1000
    return pl.pallas_call(
        _normalize_body,
        out_shape=jax.ShapeDtypeStruct((N_ENTS, H), jnp.float32),
        grid=(N_ENTS // blk,),
        in_specs=[pl.BlockSpec((blk, H), lambda i: (i, 0))],
        out_specs=pl.BlockSpec((blk, H), lambda i: (i, 0)),
    )(x)


def _deg_body(dst_ref, o_ref):
    d = dst_ref[...]
    cols = lax.broadcasted_iota(jnp.int32, (DEG_BLK, H), 1)
    hi = (lax.shift_right_logical(d, 7) == cols).astype(jnp.bfloat16)
    lo = (lax.bitwise_and(d, 127) == cols).astype(jnp.bfloat16)
    contrib = lax.dot_general(hi, lo, (((0,), (0,)), ((), ())),
                              preferred_element_type=jnp.float32)

    @pl.when(pl.program_id(0) == 0)
    def _():
        o_ref[...] = jnp.zeros_like(o_ref)

    o_ref[...] += contrib


def _deg_histogram_tc(dst):
    return pl.pallas_call(
        _deg_body,
        out_shape=jax.ShapeDtypeStruct((H, H), jnp.float32),
        grid=(N_EDGES // DEG_BLK,),
        in_specs=[pl.BlockSpec((DEG_BLK, 1), lambda i: (i, 0))],
        out_specs=pl.BlockSpec((H, H), lambda i: (0, 0)),
    )(dst.reshape(N_EDGES, 1))


def _sc_body(h_hbm, rel_hbm, st_hbm, dst_hbm, out_hbm,
             st0, st1, d0, d1, h0, h1, r0, r1, acc,
             sem_h0, sem_h1, sem_r0, sem_r1, sem_i0, sem_i1,
             sem_d0, sem_d1, sem_sh0, sem_sh1, sem_sr0, sem_sr1):
    cid = lax.axis_index("c")
    sid = lax.axis_index("s")
    wid = cid * NS + sid

    zeros16 = jnp.zeros((16,), jnp.float32)
    ST, DD, HH, RR = (st0, st1), (d0, d1), (h0, h1), (r0, r1)
    SI, SD = (sem_i0, sem_i1), (sem_d0, sem_d1)
    SH, SR = (sem_h0, sem_h1), (sem_r0, sem_r1)
    SSH, SSR = (sem_sh0, sem_sh1), (sem_sr0, sem_sr1)

    def _zfill(e, carry):
        for k in range(H // 16):
            h0[e, pl.ds(k * 16, 16)] = zeros16
        return carry
    lax.fori_loop(0, CH, _zfill, 0)
    for t in range(ROWS_PER_SUB // CH):
        pltpu.sync_copy(h0, acc.at[pl.ds(sid * ROWS_PER_SUB + t * CH, CH)])
    plsc.subcore_barrier()

    def issue_st(j, b):
        pltpu.async_copy(st_hbm.at[wid, j], ST[b], SI[b])

    def wait_st(j, b):
        pltpu.make_async_copy(st_hbm.at[wid, j], ST[b], SI[b]).wait()

    def issue_d(j, b):
        pltpu.async_copy(dst_hbm.at[wid, j], DD[b], SD[b])

    def wait_d(j, b):
        pltpu.make_async_copy(dst_hbm.at[wid, j], DD[b], SD[b]).wait()

    def issue_g(b):
        pltpu.async_copy(h_hbm.at[ST[b].at[0]], HH[b], SH[b])
        pltpu.async_copy(rel_hbm.at[ST[b].at[1]], RR[b], SR[b])

    def wait_g(b):
        pltpu.make_async_copy(h_hbm.at[ST[b].at[0]], HH[b], SH[b]).wait()
        pltpu.make_async_copy(rel_hbm.at[ST[b].at[1]], RR[b], SR[b]).wait()

    def issue_scat(b):
        pltpu.async_copy(HH[b], acc.at[DD[b].at[0]], SSH[b], add=True)
        pltpu.async_copy(RR[b], acc.at[DD[b].at[0]], SSR[b], add=True)

    def wait_scat(b):
        pltpu.make_async_copy(HH[b], acc.at[DD[b].at[0]], SSH[b]).wait()
        pltpu.make_async_copy(RR[b], acc.at[DD[b].at[0]], SSR[b]).wait()

    for b in (0, 1):
        issue_st(b, b)
        issue_d(b, b)
    wait_st(0, 0)
    issue_g(0)
    wait_st(1, 1)
    issue_g(1)
    wait_d(0, 0)
    wait_d(1, 1)

    def _pair(p, carry):
        j = 2 * p
        wait_g(0)
        issue_st(j + 2, 0)
        issue_scat(0)
        wait_g(1)
        issue_st(j + 3, 1)
        issue_scat(1)
        wait_scat(0)
        issue_d(j + 2, 0)
        wait_st(j + 2, 0)
        issue_g(0)
        wait_scat(1)
        issue_d(j + 3, 1)
        wait_st(j + 3, 1)
        issue_g(1)
        wait_d(j + 2, 0)
        wait_d(j + 3, 1)
        return carry
    lax.fori_loop(0, (NCH - 3) // 2, _pair, 0)

    wait_g(0)
    issue_st(NCH - 1, 0)
    issue_scat(0)
    wait_g(1)
    issue_scat(1)
    wait_scat(0)
    issue_d(NCH - 1, 0)
    wait_st(NCH - 1, 0)
    issue_g(0)
    wait_scat(1)
    wait_d(NCH - 1, 0)
    wait_g(0)
    issue_scat(0)
    wait_scat(0)

    plsc.subcore_barrier()
    for t in range(NZ):
        r = sid * ROWS_PER_SUB + t * ZCH
        pltpu.sync_copy(acc.at[pl.ds(r, ZCH)], out_hbm.at[cid, pl.ds(r, ZCH)])


def _sc_aggregate(h_prev, emb_rel, src, dst, typ):
    mesh = plsc.VectorSubcoreMesh(core_axis_name="c", subcore_axis_name="s")
    k = pl.kernel(
        _sc_body,
        out_type=jax.ShapeDtypeStruct((NC, ACC_N, H), jnp.float32),
        mesh=mesh,
        scratch_types=[
            pltpu.VMEM((2, CH), jnp.int32),
            pltpu.VMEM((2, CH), jnp.int32),
            pltpu.VMEM((1, CH), jnp.int32),
            pltpu.VMEM((1, CH), jnp.int32),
            pltpu.VMEM((CH, H), jnp.float32),
            pltpu.VMEM((CH, H), jnp.float32),
            pltpu.VMEM((CH, H), jnp.float32),
            pltpu.VMEM((CH, H), jnp.float32),
            pltpu.VMEM_SHARED((ACC_N, H), jnp.float32),
            pltpu.SemaphoreType.DMA,
            pltpu.SemaphoreType.DMA,
            pltpu.SemaphoreType.DMA,
            pltpu.SemaphoreType.DMA,
            pltpu.SemaphoreType.DMA,
            pltpu.SemaphoreType.DMA,
            pltpu.SemaphoreType.DMA,
            pltpu.SemaphoreType.DMA,
            pltpu.SemaphoreType.DMA,
            pltpu.SemaphoreType.DMA,
            pltpu.SemaphoreType.DMA,
            pltpu.SemaphoreType.DMA,
        ],
    )
    st = jnp.stack([src, typ], axis=0).reshape(2, NW, NCH, CH)
    st = st.transpose(1, 2, 0, 3)
    return k(h_prev, emb_rel, st, dst.reshape(NW, NCH, 1, CH))


def _tail_body(p_ref, deg_ref, hp_ref, wn_ref, wl_ref, wt_ref, b_ref, o_ref):
    acc = p_ref[0] + p_ref[1]
    deg = deg_ref[...][:, 0]
    hp = hp_ref[...]
    agg = jnp.dot(acc, wn_ref[...], preferred_element_type=jnp.float32)
    agg = agg / jnp.maximum(deg, 1.0)[:, None]
    pre = agg + jnp.dot(hp, wl_ref[...], preferred_element_type=jnp.float32)
    hnew = jnp.where(pre >= 0, pre, NEG_SLOPE * pre)
    n = jnp.sqrt(jnp.sum(hnew * hnew, axis=1, keepdims=True))
    hnew = hnew / jnp.maximum(n, 1e-12)
    u = jax.nn.sigmoid(
        jnp.dot(hnew, wt_ref[...], preferred_element_type=jnp.float32)
        + b_ref[...])
    o_ref[...] = u * hnew + (1.0 - u) * hp


def _dense_tail_tc(partials, deg, h_prev, wn, wl, wt, b):
    blk = 1000
    return pl.pallas_call(
        _tail_body,
        out_shape=jax.ShapeDtypeStruct((N_ENTS, H), jnp.float32),
        grid=(N_ENTS // blk,),
        in_specs=[
            pl.BlockSpec((NC, blk, H), lambda i: (0, i, 0)),
            pl.BlockSpec((blk, 1), lambda i: (i, 0)),
            pl.BlockSpec((blk, H), lambda i: (i, 0)),
            pl.BlockSpec((H, H), lambda i: (0, 0)),
            pl.BlockSpec((H, H), lambda i: (0, 0)),
            pl.BlockSpec((H, H), lambda i: (0, 0)),
            pl.BlockSpec((1, H), lambda i: (0, 0)),
        ],
        out_specs=pl.BlockSpec((blk, H), lambda i: (i, 0)),
    )(partials, deg, h_prev, wn, wl, wt, b)


def kernel(dynamic_emb, emb_rel, neigh_weight, loop_weight,
           time_gate_weight, time_gate_bias, edge_index, edge_type):
    h_prev = _l2_normalize_tc(dynamic_emb)
    deg_folded = _deg_histogram_tc(edge_index[1])
    pad = E_PAD - N_EDGES
    src_p = jnp.concatenate([edge_index[0], jnp.zeros((pad,), jnp.int32)])
    dst_p = jnp.concatenate(
        [edge_index[1], jnp.full((pad,), ACC_N - 1, jnp.int32)])
    typ_p = jnp.concatenate([edge_type, jnp.zeros((pad,), jnp.int32)])
    partials = _sc_aggregate(h_prev, emb_rel, src_p, dst_p, typ_p)
    deg = deg_folded.reshape(H * H)[:N_ENTS].reshape(N_ENTS, 1)
    return _dense_tail_tc(partials, deg, h_prev, neigh_weight, loop_weight,
                          time_gate_weight, time_gate_bias.reshape(1, H))

# --- scband reference (transcript-rebuilt; emitter-appended) ---
"""Pipeline reference for scband-recurrent-rgcn-53661321396270 (READ-ONLY COPY).

The authoritative reference and input builder live on the scoring server;
editing this copy changes nothing except your own understanding.
"""

import jax, jax.numpy as jnp
import numpy as np

NUM_ENTS = 10000
NUM_RELS = 100
H_DIM = 128
N_EDGES = 320000
RRELU_SLOPE = (1.0/8.0 + 1.0/3.0) / 2.0  # rrelu eval-mode negative slope


def l2_normalize(x, eps=1e-12):
    n = jnp.linalg.norm(x, axis=-1, keepdims=True)
    return x / jnp.clip(n, eps)


def setup_inputs(seed: int = 0) -> dict:
    key = jax.random.key(seed)
    ks = jax.random.split(key, 8)
    edge_index = jax.random.randint(ks[0], (2, N_EDGES), 0, NUM_ENTS, dtype=jnp.int32)
    edge_type = jax.random.randint(ks[1], (N_EDGES,), 0, 2 * NUM_RELS, dtype=jnp.int32)
    dynamic_emb = jax.random.normal(ks[2], (NUM_ENTS, H_DIM), dtype=jnp.float32)
    emb_rel = jax.random.normal(ks[3], (2 * NUM_RELS, H_DIM), dtype=jnp.float32) * (1.0 / np.sqrt(H_DIM))
    neigh_weight = jax.random.normal(ks[4], (H_DIM, H_DIM), dtype=jnp.float32) * (1.0 / np.sqrt(H_DIM))
    loop_weight = jax.random.normal(ks[5], (H_DIM, H_DIM), dtype=jnp.float32) * (1.0 / np.sqrt(H_DIM))
    time_gate_weight = jax.random.normal(ks[6], (H_DIM, H_DIM), dtype=jnp.float32) * (1.0 / np.sqrt(H_DIM))
    time_gate_bias = jnp.zeros((H_DIM,), dtype=jnp.float32)
    return {
        'dynamic_emb': dynamic_emb,
        'emb_rel': emb_rel,
        'neigh_weight': neigh_weight,
        'loop_weight': loop_weight,
        'time_gate_weight': time_gate_weight,
        'time_gate_bias': time_gate_bias,
        'edge_index': edge_index,
        'edge_type': edge_type,
    }


def reference(dynamic_emb, emb_rel, neigh_weight, loop_weight, time_gate_weight, time_gate_bias, edge_index, edge_type):
    # One evolution step of RecurrentRGCN (RE-GCN style):
    # normalize entity embeddings, run a UnionRGCN message-passing layer
    # (relation-composed messages, mean-aggregated via scatter-add, self-loop,
    # rrelu activation), then apply the learned time gate against the prior state.
    h_prev = l2_normalize(dynamic_emb)  # layer_norm=True path
    src = edge_index[0]
    dst = edge_index[1]
    # compose source entity embedding with relation embedding (opn='sub' style comp)
    h_src = jnp.take(h_prev, src, axis=0)
    r_e = jnp.take(emb_rel, edge_type, axis=0)
    msg = (h_src + r_e) @ neigh_weight
    agg = jax.ops.segment_sum(msg, dst, num_segments=NUM_ENTS)
    deg = jax.ops.segment_sum(jnp.ones((N_EDGES,), dtype=jnp.float32), dst, num_segments=NUM_ENTS)
    agg = agg / jnp.clip(deg, 1.0)[:, None]
    # self-loop + rrelu (eval-mode deterministic negative slope)
    pre = agg + h_prev @ loop_weight
    h_new = jnp.where(pre >= 0, pre, RRELU_SLOPE * pre)
    h_new = l2_normalize(h_new)
    # time gate: h = u * h_new + (1 - u) * h_prev
    u = jax.nn.sigmoid(h_new @ time_gate_weight + time_gate_bias[None, :])
    h_out = u * h_new + (1.0 - u) * h_prev
    return h_out

if __name__ == "__main__":
    import jax
    _d = setup_inputs()
    print(jax.jit(kernel)(*tuple(_d.values())))

</pallas_src>

<mosaic_0001>
#map = affine_map<(d0, d1) -> (0, 0)>
#map1 = affine_map<(d0, d1) -> (0, 0, 0, 0)>
#map2 = affine_map<(d0, d1) -> (0, 0, 0)>
module attributes {stable_mosaic.version = 14 : i64} {
  func.func @_sc_body(%arg0: i32, %arg1: i32, %arg2: memref<10000x128xf32, #tpu.memory_space<hbm>>, %arg3: memref<200x128xf32, #tpu.memory_space<hbm>>, %arg4: memref<32x125x2x80xi32, #tpu.memory_space<hbm>>, %arg5: memref<32x125x1x80xi32, #tpu.memory_space<hbm>>, %arg6: memref<2x10240x128xf32, #tpu.memory_space<hbm>>, %arg7: memref<2x80xi32, #tpu.memory_space<vmem>>, %arg8: memref<2x80xi32, #tpu.memory_space<vmem>>, %arg9: memref<1x80xi32, #tpu.memory_space<vmem>>, %arg10: memref<1x80xi32, #tpu.memory_space<vmem>>, %arg11: memref<80x128xf32, #tpu.memory_space<vmem>>, %arg12: memref<80x128xf32, #tpu.memory_space<vmem>>, %arg13: memref<80x128xf32, #tpu.memory_space<vmem>>, %arg14: memref<80x128xf32, #tpu.memory_space<vmem>>, %arg15: memref<10240x128xf32, #tpu.memory_space<vmem_shared>>, %arg16: memref<!tpu.dma_semaphore, #tpu.memory_space<semaphore_mem>>, %arg17: memref<!tpu.dma_semaphore, #tpu.memory_space<semaphore_mem>>, %arg18: memref<!tpu.dma_semaphore, #tpu.memory_space<semaphore_mem>>, %arg19: memref<!tpu.dma_semaphore, #tpu.memory_space<semaphore_mem>>, %arg20: memref<!tpu.dma_semaphore, #tpu.memory_space<semaphore_mem>>, %arg21: memref<!tpu.dma_semaphore, #tpu.memory_space<semaphore_mem>>, %arg22: memref<!tpu.dma_semaphore, #tpu.memory_space<semaphore_mem>>, %arg23: memref<!tpu.dma_semaphore, #tpu.memory_space<semaphore_mem>>, %arg24: memref<!tpu.dma_semaphore, #tpu.memory_space<semaphore_mem>>, %arg25: memref<!tpu.dma_semaphore, #tpu.memory_space<semaphore_mem>>, %arg26: memref<!tpu.dma_semaphore, #tpu.memory_space<semaphore_mem>>, %arg27: memref<!tpu.dma_semaphore, #tpu.memory_space<semaphore_mem>>) attributes {dimension_semantics = [#tpu.dimension_semantics<core_parallel>, #tpu.dimension_semantics<subcore_parallel>], iteration_bounds = array<i64: 2, 16>, scalar_prefetch = 0 : i64, scratch_operands = 21 : i64, tpu.core_type = #tpu.core_type<sc_vector_subcore>, window_params = [{transform_indices = #map}, {transform_indices = #map}, {transform_indices = #map1}, {transform_indices = #map1}, {transform_indices = #map2}]} {
    %mul3A = arith.constant 16 : i32
    %mul3A_0 = arith.muli %arg0, %mul3A : i32
    %add3A = arith.addi %mul3A_0, %arg1 : i32
    %broadcast_in_dim3A = arith.constant 0.000000e+00 : f32
    %broadcast_in_dim3A_1 = vector.broadcast %broadcast_in_dim3A : f32 to vector<16xf32>
    %scan3A = arith.constant 0 : i32
    %scan3A_2 = arith.constant 0 : i32
    %scan3A_3 = arith.constant 80 : i32
    %scan3A_4 = arith.addi %scan3A_2, %scan3A_3 : i32
    %scan3A_5 = arith.constant 1 : i32
    scf.for %scan3A_340 = %scan3A_2 to %scan3A_4 step %scan3A_5  : i32 {
      %swap3A = arith.index_cast %scan3A_340 : i32 to index
      %swap3A_341 = arith.constant 0 : index
      %swap3A_342 = tpu.vector_load %arg11[%swap3A, %swap3A_341] {strides = array<i32>} : memref<80x128xf32, #tpu.memory_space<vmem>>, vector<1x16xf32>,
      %swap3A_343 = vector.shape_cast %swap3A_342 : vector<1x16xf32> to vector<16xf32>
      %swap3A_344 = vector.shape_cast %broadcast_in_dim3A_1 : vector<16xf32> to vector<1x16xf32>
      tpu.vector_store %arg11[%swap3A, %swap3A_341], %swap3A_344 {strides = array<i32>} : memref<80x128xf32, #tpu.memory_space<vmem>>, vector<1x16xf32>,
      %swap3A_345 = arith.index_cast %scan3A_340 : i32 to index
      %swap3A_346 = arith.constant 16 : index
      %swap3A_347 = tpu.vector_load %arg11[%swap3A_345, %swap3A_346] {strides = array<i32>} : memref<80x128xf32, #tpu.memory_space<vmem>>, vector<1x16xf32>,
      %swap3A_348 = vector.shape_cast %swap3A_347 : vector<1x16xf32> to vector<16xf32>
      %swap3A_349 = vector.shape_cast %broadcast_in_dim3A_1 : vector<16xf32> to vector<1x16xf32>
      tpu.vector_store %arg11[%swap3A_345, %swap3A_346], %swap3A_349 {strides = array<i32>} : memref<80x128xf32, #tpu.memory_space<vmem>>, vector<1x16xf32>,
      %swap3A_350 = arith.index_cast %scan3A_340 : i32 to index
      %swap3A_351 = arith.constant 32 : index
      %swap3A_352 = tpu.vector_load %arg11[%swap3A_350, %swap3A_351] {strides = array<i32>} : memref<80x128xf32, #tpu.memory_space<vmem>>, vector<1x16xf32>,
      %swap3A_353 = vector.shape_cast %swap3A_352 : vector<1x16xf32> to vector<16xf32>
      %swap3A_354 = vector.shape_cast %broadcast_in_dim3A_1 : vector<16xf32> to vector<1x16xf32>
      tpu.vector_store %arg11[%swap3A_350, %swap3A_351], %swap3A_354 {strides = array<i32>} : memref<80x128xf32, #tpu.memory_space<vmem>>, vector<1x16xf32>,
      %swap3A_355 = arith.index_cast %scan3A_340 : i32 to index
      %swap3A_356 = arith.constant 48 : index
      %swap3A_357 = tpu.vector_load %arg11[%swap3A_355, %swap3A_356] {strides = array<i32>} : memref<80x128xf32, #tpu.memory_space<vmem>>, vector<1x16xf32>,
      %swap3A_358 = vector.shape_cast %swap3A_357 : vector<1x16xf32> to vector<16xf32>
      %swap3A_359 = vector.shape_cast %broadcast_in_dim3A_1 : vector<16xf32> to vector<1x16xf32>
      tpu.vector_store %arg11[%swap3A_355, %swap3A_356], %swap3A_359 {strides = array<i32>} : memref<80x128xf32, #tpu.memory_space<vmem>>, vector<1x16xf32>,
      %swap3A_360 = arith.index_cast %scan3A_340 : i32 to index
      %swap3A_361 = arith.constant 64 : index
      %swap3A_362 = tpu.vector_load %arg11[%swap3A_360, %swap3A_361] {strides = array<i32>} : memref<80x128xf32, #tpu.memory_space<vmem>>, vector<1x16xf32>,
      %swap3A_363 = vector.shape_cast %swap3A_362 : vector<1x16xf32> to vector<16xf32>
      %swap3A_364 = vector.shape_cast %broadcast_in_dim3A_1 : vector<16xf32> to vector<1x16xf32>
      tpu.vector_store %arg11[%swap3A_360, %swap3A_361], %swap3A_364 {strides = array<i32>} : memref<80x128xf32, #tpu.memory_space<vmem>>, vector<1x16xf32>,
      %swap3A_365 = arith.index_cast %scan3A_340 : i32 to index
      %swap3A_366 = arith.constant 80 : index
      %swap3A_367 = tpu.vector_load %arg11[%swap3A_365, %swap3A_366] {strides = array<i32>} : memref<80x128xf32, #tpu.memory_space<vmem>>, vector<1x16xf32>,
      %swap3A_368 = vector.shape_cast %swap3A_367 : vector<1x16xf32> to vector<16xf32>
      %swap3A_369 = vector.shape_cast %broadcast_in_dim3A_1 : vector<16xf32> to vector<1x16xf32>
      tpu.vector_store %arg11[%swap3A_365, %swap3A_366], %swap3A_369 {strides = array<i32>} : memref<80x128xf32, #tpu.memory_space<vmem>>, vector<1x16xf32>,
      %swap3A_370 = arith.index_cast %scan3A_340 : i32 to index
      %swap3A_371 = arith.constant 96 : index
      %swap3A_372 = tpu.vector_load %arg11[%swap3A_370, %swap3A_371] {strides = array<i32>} : memref<80x128xf32, #tpu.memory_space<vmem>>, vector<1x16xf32>,
      %swap3A_373 = vector.shape_cast %swap3A_372 : vector<1x16xf32> to vector<16xf32>
      %swap3A_374 = vector.shape_cast %broadcast_in_dim3A_1 : vector<16xf32> to vector<1x16xf32>
      tpu.vector_store %arg11[%swap3A_370, %swap3A_371], %swap3A_374 {strides = array<i32>} : memref<80x128xf32, #tpu.memory_space<vmem>>, vector<1x16xf32>,
      %swap3A_375 = arith.index_cast %scan3A_340 : i32 to index
      %swap3A_376 = arith.constant 112 : index
      %swap3A_377 = tpu.vector_load %arg11[%swap3A_375, %swap3A_376] {strides = array<i32>} : memref<80x128xf32, #tpu.memory_space<vmem>>, vector<1x16xf32>,
      %swap3A_378 = vector.shape_cast %swap3A_377 : vector<1x16xf32> to vector<16xf32>
      %swap3A_379 = vector.shape_cast %broadcast_in_dim3A_1 : vector<16xf32> to vector<1x16xf32>
      tpu.vector_store %arg11[%swap3A_375, %swap3A_376], %swap3A_379 {strides = array<i32>} : memref<80x128xf32, #tpu.memory_space<vmem>>, vector<1x16xf32>,
    }
    %scan3A_6 = arith.constant 80 : i32
    %mul3A_7 = arith.constant 640 : i32
    %mul3A_8 = arith.muli %arg1, %mul3A_7 : i32
    %add3A_9 = arith.constant 0 : i32
    %add3A_10 = arith.addi %mul3A_8, %add3A_9 : i32
    "tpu.region"() ({
      %run_scoped3A = tpu.sem_alloc : memref<!tpu.dma_semaphore, #tpu.memory_space<semaphore_mem>>
      %dma_start3A_340 = arith.constant 0 : i32
      %dma_start3A_341 = tpu.memref_slice %arg15[%add3A_10, %dma_start3A_340] : memref<10240x128xf32, #tpu.memory_space<vmem_shared>> -> memref<80x128xf32, #tpu.memory_space<vmem_shared>>
      %dma_start3A_342 = arith.constant 0 : i32
      %dma_start3A_343 = tpu.memref_slice %arg15[%add3A_10, %dma_start3A_342] : memref<10240x128xf32, #tpu.memory_space<vmem_shared>> -> memref<80x128xf32, #tpu.memory_space<vmem_shared>>
      tpu.enqueue_dma source(%arg11 : memref<80x128xf32, #tpu.memory_space<vmem>>) target(%dma_start3A_343 : memref<80x128xf32, #tpu.memory_space<vmem_shared>>) target_semaphore(%run_scoped3A : memref<!tpu.dma_semaphore, #tpu.memory_space<semaphore_mem>>)
      %dma_wait3A_344 = arith.constant 0 : i32
      %dma_wait3A_345 = tpu.memref_slice %arg15[%add3A_10, %dma_wait3A_344] : memref<10240x128xf32, #tpu.memory_space<vmem_shared>> -> memref<80x128xf32, #tpu.memory_space<vmem_shared>>
      %dma_wait3A_346 = arith.constant 0 : i32
      %dma_wait3A_347 = tpu.memref_slice %arg15[%add3A_10, %dma_wait3A_346] : memref<10240x128xf32, #tpu.memory_space<vmem_shared>> -> memref<80x128xf32, #tpu.memory_space<vmem_shared>>
      tpu.wait_dma2 semaphore(%run_scoped3A : memref<!tpu.dma_semaphore, #tpu.memory_space<semaphore_mem>>) src(%arg11 : memref<80x128xf32, #tpu.memory_space<vmem>>) dst(%dma_wait3A_347 : memref<80x128xf32, #tpu.memory_space<vmem_shared>>)
      tpu.yield
    }) : () -> ()
    %mul3A_11 = arith.constant 640 : i32
    %mul3A_12 = arith.muli %arg1, %mul3A_11 : i32
    %add3A_13 = arith.constant 80 : i32
    %add3A_14 = arith.addi %mul3A_12, %add3A_13 : i32
    "tpu.region"() ({
      %run_scoped3A = tpu.sem_alloc : memref<!tpu.dma_semaphore, #tpu.memory_space<semaphore_mem>>
      %dma_start3A_340 = arith.constant 0 : i32
      %dma_start3A_341 = tpu.memref_slice %arg15[%add3A_14, %dma_start3A_340] : memref<10240x128xf32, #tpu.memory_space<vmem_shared>> -> memref<80x128xf32, #tpu.memory_space<vmem_shared>>
      %dma_start3A_342 = arith.constant 0 : i32
      %dma_start3A_343 = tpu.memref_slice %arg15[%add3A_14, %dma_start3A_342] : memref<10240x128xf32, #tpu.memory_space<vmem_shared>> -> memref<80x128xf32, #tpu.memory_space<vmem_shared>>
      tpu.enqueue_dma source(%arg11 : memref<80x128xf32, #tpu.memory_space<vmem>>) target(%dma_start3A_343 : memref<80x128xf32, #tpu.memory_space<vmem_shared>>) target_semaphore(%run_scoped3A : memref<!tpu.dma_semaphore, #tpu.memory_space<semaphore_mem>>)
      %dma_wait3A_344 = arith.constant 0 : i32
      %dma_wait3A_345 = tpu.memref_slice %arg15[%add3A_14, %dma_wait3A_344] : memref<10240x128xf32, #tpu.memory_space<vmem_shared>> -> memref<80x128xf32, #tpu.memory_space<vmem_shared>>
      %dma_wait3A_346 = arith.constant 0 : i32
      %dma_wait3A_347 = tpu.memref_slice %arg15[%add3A_14, %dma_wait3A_346] : memref<10240x128xf32, #tpu.memory_space<vmem_shared>> -> memref<80x128xf32, #tpu.memory_space<vmem_shared>>
      tpu.wait_dma2 semaphore(%run_scoped3A : memref<!tpu.dma_semaphore, #tpu.memory_space<semaphore_mem>>) src(%arg11 : memref<80x128xf32, #tpu.memory_space<vmem>>) dst(%dma_wait3A_347 : memref<80x128xf32, #tpu.memory_space<vmem_shared>>)
      tpu.yield
    }) : () -> ()
    %mul3A_15 = arith.constant 640 : i32
    %mul3A_16 = arith.muli %arg1, %mul3A_15 : i32
    %add3A_17 = arith.constant 160 : i32
    %add3A_18 = arith.addi %mul3A_16, %add3A_17 : i32
    "tpu.region"() ({
      %run_scoped3A = tpu.sem_alloc : memref<!tpu.dma_semaphore, #tpu.memory_space<semaphore_mem>>
      %dma_start3A_340 = arith.constant 0 : i32
      %dma_start3A_341 = tpu.memref_slice %arg15[%add3A_18, %dma_start3A_340] : memref<10240x128xf32, #tpu.memory_space<vmem_shared>> -> memref<80x128xf32, #tpu.memory_space<vmem_shared>>
      %dma_start3A_342 = arith.constant 0 : i32
      %dma_start3A_343 = tpu.memref_slice %arg15[%add3A_18, %dma_start3A_342] : memref<10240x128xf32, #tpu.memory_space<vmem_shared>> -> memref<80x128xf32, #tpu.memory_space<vmem_shared>>
      tpu.enqueue_dma source(%arg11 : memref<80x128xf32, #tpu.memory_space<vmem>>) target(%dma_start3A_343 : memref<80x128xf32, #tpu.memory_space<vmem_shared>>) target_semaphore(%run_scoped3A : memref<!tpu.dma_semaphore, #tpu.memory_space<semaphore_mem>>)
      %dma_wait3A_344 = arith.constant 0 : i32
      %dma_wait3A_345 = tpu.memref_slice %arg15[%add3A_18, %dma_wait3A_344] : memref<10240x128xf32, #tpu.memory_space<vmem_shared>> -> memref<80x128xf32, #tpu.memory_space<vmem_shared>>
      %dma_wait3A_346 = arith.constant 0 : i32
      %dma_wait3A_347 = tpu.memref_slice %arg15[%add3A_18, %dma_wait3A_346] : memref<10240x128xf32, #tpu.memory_space<vmem_shared>> -> memref<80x128xf32, #tpu.memory_space<vmem_shared>>
      tpu.wait_dma2 semaphore(%run_scoped3A : memref<!tpu.dma_semaphore, #tpu.memory_space<semaphore_mem>>) src(%arg11 : memref<80x128xf32, #tpu.memory_space<vmem>>) dst(%dma_wait3A_347 : memref<80x128xf32, #tpu.memory_space<vmem_shared>>)
      tpu.yield
    }) : () -> ()
    %mul3A_19 = arith.constant 640 : i32
    %mul3A_20 = arith.muli %arg1, %mul3A_19 : i32
    %add3A_21 = arith.constant 240 : i32
    %add3A_22 = arith.addi %mul3A_20, %add3A_21 : i32
    "tpu.region"() ({
      %run_scoped3A = tpu.sem_alloc : memref<!tpu.dma_semaphore, #tpu.memory_space<semaphore_mem>>
      %dma_start3A_340 = arith.constant 0 : i32
      %dma_start3A_341 = tpu.memref_slice %arg15[%add3A_22, %dma_start3A_340] : memref<10240x128xf32, #tpu.memory_space<vmem_shared>> -> memref<80x128xf32, #tpu.memory_space<vmem_shared>>
      %dma_start3A_342 = arith.constant 0 : i32
      %dma_start3A_343 = tpu.memref_slice %arg15[%add3A_22, %dma_start3A_342] : memref<10240x128xf32, #tpu.memory_space<vmem_shared>> -> memref<80x128xf32, #tpu.memory_space<vmem_shared>>
      tpu.enqueue_dma source(%arg11 : memref<80x128xf32, #tpu.memory_space<vmem>>) target(%dma_start3A_343 : memref<80x128xf32, #tpu.memory_space<vmem_shared>>) target_semaphore(%run_scoped3A : memref<!tpu.dma_semaphore, #tpu.memory_space<semaphore_mem>>)
      %dma_wait3A_344 = arith.constant 0 : i32
      %dma_wait3A_345 = tpu.memref_slice %arg15[%add3A_22, %dma_wait3A_344] : memref<10240x128xf32, #tpu.memory_space<vmem_shared>> -> memref<80x128xf32, #tpu.memory_space<vmem_shared>>
      %dma_wait3A_346 = arith.constant 0 : i32
      %dma_wait3A_347 = tpu.memref_slice %arg15[%add3A_22, %dma_wait3A_346] : memref<10240x128xf32, #tpu.memory_space<vmem_shared>> -> memref<80x128xf32, #tpu.memory_space<vmem_shared>>
      tpu.wait_dma2 semaphore(%run_scoped3A : memref<!tpu.dma_semaphore, #tpu.memory_space<semaphore_mem>>) src(%arg11 : memref<80x128xf32, #tpu.memory_space<vmem>>) dst(%dma_wait3A_347 : memref<80x128xf32, #tpu.memory_space<vmem_shared>>)
      tpu.yield
    }) : () -> ()
    %mul3A_23 = arith.constant 640 : i32
    %mul3A_24 = arith.muli %arg1, %mul3A_23 : i32
    %add3A_25 = arith.constant 320 : i32
    %add3A_26 = arith.addi %mul3A_24, %add3A_25 : i32
    "tpu.region"() ({
      %run_scoped3A = tpu.sem_alloc : memref<!tpu.dma_semaphore, #tpu.memory_space<semaphore_mem>>
      %dma_start3A_340 = arith.constant 0 : i32
      %dma_start3A_341 = tpu.memref_slice %arg15[%add3A_26, %dma_start3A_340] : memref<10240x128xf32, #tpu.memory_space<vmem_shared>> -> memref<80x128xf32, #tpu.memory_space<vmem_shared>>
      %dma_start3A_342 = arith.constant 0 : i32
      %dma_start3A_343 = tpu.memref_slice %arg15[%add3A_26, %dma_start3A_342] : memref<10240x128xf32, #tpu.memory_space<vmem_shared>> -> memref<80x128xf32, #tpu.memory_space<vmem_shared>>
      tpu.enqueue_dma source(%arg11 : memref<80x128xf32, #tpu.memory_space<vmem>>) target(%dma_start3A_343 : memref<80x128xf32, #tpu.memory_space<vmem_shared>>) target_semaphore(%run_scoped3A : memref<!tpu.dma_semaphore, #tpu.memory_space<semaphore_mem>>)
      %dma_wait3A_344 = arith.constant 0 : i32
      %dma_wait3A_345 = tpu.memref_slice %arg15[%add3A_26, %dma_wait3A_344] : memref<10240x128xf32, #tpu.memory_space<vmem_shared>> -> memref<80x128xf32, #tpu.memory_space<vmem_shared>>
      %dma_wait3A_346 = arith.constant 0 : i32
      %dma_wait3A_347 = tpu.memref_slice %arg15[%add3A_26, %dma_wait3A_346] : memref<10240x128xf32, #tpu.memory_space<vmem_shared>> -> memref<80x128xf32, #tpu.memory_space<vmem_shared>>
      tpu.wait_dma2 semaphore(%run_scoped3A : memref<!tpu.dma_semaphore, #tpu.memory_space<semaphore_mem>>) src(%arg11 : memref<80x128xf32, #tpu.memory_space<vmem>>) dst(%dma_wait3A_347 : memref<80x128xf32, #tpu.memory_space<vmem_shared>>)
      tpu.yield
    }) : () -> ()
    %mul3A_27 = arith.constant 640 : i32
    %mul3A_28 = arith.muli %arg1, %mul3A_27 : i32
    %add3A_29 = arith.constant 400 : i32
    %add3A_30 = arith.addi %mul3A_28, %add3A_29 : i32
    "tpu.region"() ({
      %run_scoped3A = tpu.sem_alloc : memref<!tpu.dma_semaphore, #tpu.memory_space<semaphore_mem>>
      %dma_start3A_340 = arith.constant 0 : i32
      %dma_start3A_341 = tpu.memref_slice %arg15[%add3A_30, %dma_start3A_340] : memref<10240x128xf32, #tpu.memory_space<vmem_shared>> -> memref<80x128xf32, #tpu.memory_space<vmem_shared>>
      %dma_start3A_342 = arith.constant 0 : i32
      %dma_start3A_343 = tpu.memref_slice %arg15[%add3A_30, %dma_start3A_342] : memref<10240x128xf32, #tpu.memory_space<vmem_shared>> -> memref<80x128xf32, #tpu.memory_space<vmem_shared>>
      tpu.enqueue_dma source(%arg11 : memref<80x128xf32, #tpu.memory_space<vmem>>) target(%dma_start3A_343 : memref<80x128xf32, #tpu.memory_space<vmem_shared>>) target_semaphore(%run_scoped3A : memref<!tpu.dma_semaphore, #tpu.memory_space<semaphore_mem>>)
      %dma_wait3A_344 = arith.constant 0 : i32
      %dma_wait3A_345 = tpu.memref_slice %arg15[%add3A_30, %dma_wait3A_344] : memref<10240x128xf32, #tpu.memory_space<vmem_shared>> -> memref<80x128xf32, #tpu.memory_space<vmem_shared>>
      %dma_wait3A_346 = arith.constant 0 : i32
      %dma_wait3A_347 = tpu.memref_slice %arg15[%add3A_30, %dma_wait3A_346] : memref<10240x128xf32, #tpu.memory_space<vmem_shared>> -> memref<80x128xf32, #tpu.memory_space<vmem_shared>>
      tpu.wait_dma2 semaphore(%run_scoped3A : memref<!tpu.dma_semaphore, #tpu.memory_space<semaphore_mem>>) src(%arg11 : memref<80x128xf32, #tpu.memory_space<vmem>>) dst(%dma_wait3A_347 : memref<80x128xf32, #tpu.memory_space<vmem_shared>>)
      tpu.yield
    }) : () -> ()
    %mul3A_31 = arith.constant 640 : i32
    %mul3A_32 = arith.muli %arg1, %mul3A_31 : i32
    %add3A_33 = arith.constant 480 : i32
    %add3A_34 = arith.addi %mul3A_32, %add3A_33 : i32
    "tpu.region"() ({
      %run_scoped3A = tpu.sem_alloc : memref<!tpu.dma_semaphore, #tpu.memory_space<semaphore_mem>>
      %dma_start3A_340 = arith.constant 0 : i32
      %dma_start3A_341 = tpu.memref_slice %arg15[%add3A_34, %dma_start3A_340] : memref<10240x128xf32, #tpu.memory_space<vmem_shared>> -> memref<80x128xf32, #tpu.memory_space<vmem_shared>>
      %dma_start3A_342 = arith.constant 0 : i32
      %dma_start3A_343 = tpu.memref_slice %arg15[%add3A_34, %dma_start3A_342] : memref<10240x128xf32, #tpu.memory_space<vmem_shared>> -> memref<80x128xf32, #tpu.memory_space<vmem_shared>>
      tpu.enqueue_dma source(%arg11 : memref<80x128xf32, #tpu.memory_space<vmem>>) target(%dma_start3A_343 : memref<80x128xf32, #tpu.memory_space<vmem_shared>>) target_semaphore(%run_scoped3A : memref<!tpu.dma_semaphore, #tpu.memory_space<semaphore_mem>>)
      %dma_wait3A_344 = arith.constant 0 : i32
      %dma_wait3A_345 = tpu.memref_slice %arg15[%add3A_34, %dma_wait3A_344] : memref<10240x128xf32, #tpu.memory_space<vmem_shared>> -> memref<80x128xf32, #tpu.memory_space<vmem_shared>>
      %dma_wait3A_346 = arith.constant 0 : i32
      %dma_wait3A_347 = tpu.memref_slice %arg15[%add3A_34, %dma_wait3A_346] : memref<10240x128xf32, #tpu.memory_space<vmem_shared>> -> memref<80x128xf32, #tpu.memory_space<vmem_shared>>
      tpu.wait_dma2 semaphore(%run_scoped3A : memref<!tpu.dma_semaphore, #tpu.memory_space<semaphore_mem>>) src(%arg11 : memref<80x128xf32, #tpu.memory_space<vmem>>) dst(%dma_wait3A_347 : memref<80x128xf32, #tpu.memory_space<vmem_shared>>)
      tpu.yield
    }) : () -> ()
    %mul3A_35 = arith.constant 640 : i32
    %mul3A_36 = arith.muli %arg1, %mul3A_35 : i32
    %add3A_37 = arith.constant 560 : i32
    %add3A_38 = arith.addi %mul3A_36, %add3A_37 : i32
    "tpu.region"() ({
      %run_scoped3A = tpu.sem_alloc : memref<!tpu.dma_semaphore, #tpu.memory_space<semaphore_mem>>
      %dma_start3A_340 = arith.constant 0 : i32
      %dma_start3A_341 = tpu.memref_slice %arg15[%add3A_38, %dma_start3A_340] : memref<10240x128xf32, #tpu.memory_space<vmem_shared>> -> memref<80x128xf32, #tpu.memory_space<vmem_shared>>
      %dma_start3A_342 = arith.constant 0 : i32
      %dma_start3A_343 = tpu.memref_slice %arg15[%add3A_38, %dma_start3A_342] : memref<10240x128xf32, #tpu.memory_space<vmem_shared>> -> memref<80x128xf32, #tpu.memory_space<vmem_shared>>
      tpu.enqueue_dma source(%arg11 : memref<80x128xf32, #tpu.memory_space<vmem>>) target(%dma_start3A_343 : memref<80x128xf32, #tpu.memory_space<vmem_shared>>) target_semaphore(%run_scoped3A : memref<!tpu.dma_semaphore, #tpu.memory_space<semaphore_mem>>)
      %dma_wait3A_344 = arith.constant 0 : i32
      %dma_wait3A_345 = tpu.memref_slice %arg15[%add3A_38, %dma_wait3A_344] : memref<10240x128xf32, #tpu.memory_space<vmem_shared>> -> memref<80x128xf32, #tpu.memory_space<vmem_shared>>
      %dma_wait3A_346 = arith.constant 0 : i32
      %dma_wait3A_347 = tpu.memref_slice %arg15[%add3A_38, %dma_wait3A_346] : memref<10240x128xf32, #tpu.memory_space<vmem_shared>> -> memref<80x128xf32, #tpu.memory_space<vmem_shared>>
      tpu.wait_dma2 semaphore(%run_scoped3A : memref<!tpu.dma_semaphore, #tpu.memory_space<semaphore_mem>>) src(%arg11 : memref<80x128xf32, #tpu.memory_space<vmem>>) dst(%dma_wait3A_347 : memref<80x128xf32, #tpu.memory_space<vmem_shared>>)
      tpu.yield
    }) : () -> ()
    %barrier3A = arith.constant 0 : index
    tpu.barrier barrier_id(%barrier3A)
    %dma_start3A = arith.constant 0 : i32
    %dma_start3A_39 = arith.constant 0 : i32
    %dma_start3A_40 = arith.constant 0 : i32
    %dma_start3A_41 = tpu.memref_slice %arg4[%add3A, %dma_start3A, %dma_start3A_39, %dma_start3A_40] : memref<32x125x2x80xi32, #tpu.memory_space<hbm>> -> memref<1x1x2x80xi32, #tpu.memory_space<hbm>>
    %dma_start3A_42 = tpu.memref_squeeze %dma_start3A_41 : memref<1x1x2x80xi32, #tpu.memory_space<hbm>> -> memref<2x80xi32, #tpu.memory_space<hbm>>
    %dma_start3A_43 = arith.constant 0 : i32
    %dma_start3A_44 = arith.constant 0 : i32
    %dma_start3A_45 = tpu.memref_slice %arg4[%add3A, %dma_start3A, %dma_start3A_43, %dma_start3A_44] : memref<32x125x2x80xi32, #tpu.memory_space<hbm>> -> memref<1x1x2x80xi32, #tpu.memory_space<hbm>>
    %dma_start3A_46 = tpu.memref_squeeze %dma_start3A_45 : memref<1x1x2x80xi32, #tpu.memory_space<hbm>> -> memref<2x80xi32, #tpu.memory_space<hbm>>
    tpu.enqueue_dma source(%dma_start3A_46 : memref<2x80xi32, #tpu.memory_space<hbm>>) target(%arg7 : memref<2x80xi32, #tpu.memory_space<vmem>>) target_semaphore(%arg20 : memref<!tpu.dma_semaphore, #tpu.memory_space<semaphore_mem>>)
    %dma_start3A_47 = arith.constant 0 : i32
    %dma_start3A_48 = arith.constant 0 : i32
    %dma_start3A_49 = arith.constant 0 : i32
    %dma_start3A_50 = tpu.memref_slice %arg5[%add3A, %dma_start3A_47, %dma_start3A_48, %dma_start3A_49] : memref<32x125x1x80xi32, #tpu.memory_space<hbm>> -> memref<1x1x1x80xi32, #tpu.memory_space<hbm>>
    %dma_start3A_51 = tpu.memref_squeeze %dma_start3A_50 : memref<1x1x1x80xi32, #tpu.memory_space<hbm>> -> memref<1x80xi32, #tpu.memory_space<hbm>>
    %dma_start3A_52 = arith.constant 0 : i32
    %dma_start3A_53 = arith.constant 0 : i32
    %dma_start3A_54 = tpu.memref_slice %arg5[%add3A, %dma_start3A_47, %dma_start3A_52, %dma_start3A_53] : memref<32x125x1x80xi32, #tpu.memory_space<hbm>> -> memref<1x1x1x80xi32, #tpu.memory_space<hbm>>
    %dma_start3A_55 = tpu.memref_squeeze %dma_start3A_54 : memref<1x1x1x80xi32, #tpu.memory_space<hbm>> -> memref<1x80xi32, #tpu.memory_space<hbm>>
    tpu.enqueue_dma source(%dma_start3A_55 : memref<1x80xi32, #tpu.memory_space<hbm>>) target(%arg9 : memref<1x80xi32, #tpu.memory_space<vmem>>) target_semaphore(%arg22 : memref<!tpu.dma_semaphore, #tpu.memory_space<semaphore_mem>>)
    %dma_start3A_56 = arith.constant 1 : i32
    %dma_start3A_57 = arith.constant 0 : i32
    %dma_start3A_58 = arith.constant 0 : i32
    %dma_start3A_59 = tpu.memref_slice %arg4[%add3A, %dma_start3A_56, %dma_start3A_57, %dma_start3A_58] : memref<32x125x2x80xi32, #tpu.memory_space<hbm>> -> memref<1x1x2x80xi32, #tpu.memory_space<hbm>>
    %dma_start3A_60 = tpu.memref_squeeze %dma_start3A_59 : memref<1x1x2x80xi32, #tpu.memory_space<hbm>> -> memref<2x80xi32, #tpu.memory_space<hbm>>
    %dma_start3A_61 = arith.constant 0 : i32
    %dma_start3A_62 = arith.constant 0 : i32
    %dma_start3A_63 = tpu.memref_slice %arg4[%add3A, %dma_start3A_56, %dma_start3A_61, %dma_start3A_62] : memref<32x125x2x80xi32, #tpu.memory_space<hbm>> -> memref<1x1x2x80xi32, #tpu.memory_space<hbm>>
    %dma_start3A_64 = tpu.memref_squeeze %dma_start3A_63 : memref<1x1x2x80xi32, #tpu.memory_space<hbm>> -> memref<2x80xi32, #tpu.memory_space<hbm>>
    tpu.enqueue_dma source(%dma_start3A_64 : memref<2x80xi32, #tpu.memory_space<hbm>>) target(%arg8 : memref<2x80xi32, #tpu.memory_space<vmem>>) target_semaphore(%arg21 : memref<!tpu.dma_semaphore, #tpu.memory_space<semaphore_mem>>)
    %dma_start3A_65 = arith.constant 1 : i32
    %dma_start3A_66 = arith.constant 0 : i32
    %dma_start3A_67 = arith.constant 0 : i32
    %dma_start3A_68 = tpu.memref_slice %arg5[%add3A, %dma_start3A_65, %dma_start3A_66, %dma_start3A_67] : memref<32x125x1x80xi32, #tpu.memory_space<hbm>> -> memref<1x1x1x80xi32, #tpu.memory_space<hbm>>
    %dma_start3A_69 = tpu.memref_squeeze %dma_start3A_68 : memref<1x1x1x80xi32, #tpu.memory_space<hbm>> -> memref<1x80xi32, #tpu.memory_space<hbm>>
    %dma_start3A_70 = arith.constant 0 : i32
    %dma_start3A_71 = arith.constant 0 : i32
    %dma_start3A_72 = tpu.memref_slice %arg5[%add3A, %dma_start3A_65, %dma_start3A_70, %dma_start3A_71] : memref<32x125x1x80xi32, #tpu.memory_space<hbm>> -> memref<1x1x1x80xi32, #tpu.memory_space<hbm>>
    %dma_start3A_73 = tpu.memref_squeeze %dma_start3A_72 : memref<1x1x1x80xi32, #tpu.memory_space<hbm>> -> memref<1x80xi32, #tpu.memory_space<hbm>>
    tpu.enqueue_dma source(%dma_start3A_73 : memref<1x80xi32, #tpu.memory_space<hbm>>) target(%arg10 : memref<1x80xi32, #tpu.memory_space<vmem>>) target_semaphore(%arg23 : memref<!tpu.dma_semaphore, #tpu.memory_space<semaphore_mem>>)
    %dma_wait3A = arith.constant 0 : i32
    %dma_wait3A_74 = arith.constant 0 : i32
    %dma_wait3A_75 = arith.constant 0 : i32
    %dma_wait3A_76 = tpu.memref_slice %arg4[%add3A, %dma_wait3A, %dma_wait3A_74, %dma_wait3A_75] : memref<32x125x2x80xi32, #tpu.memory_space<hbm>> -> memref<1x1x2x80xi32, #tpu.memory_space<hbm>>
    %dma_wait3A_77 = tpu.memref_squeeze %dma_wait3A_76 : memref<1x1x2x80xi32, #tpu.memory_space<hbm>> -> memref<2x80xi32, #tpu.memory_space<hbm>>
    %dma_wait3A_78 = arith.constant 0 : i32
    %dma_wait3A_79 = arith.constant 0 : i32
    %dma_wait3A_80 = tpu.memref_slice %arg4[%add3A, %dma_wait3A, %dma_wait3A_78, %dma_wait3A_79] : memref<32x125x2x80xi32, #tpu.memory_space<hbm>> -> memref<1x1x2x80xi32, #tpu.memory_space<hbm>>
    %dma_wait3A_81 = tpu.memref_squeeze %dma_wait3A_80 : memref<1x1x2x80xi32, #tpu.memory_space<hbm>> -> memref<2x80xi32, #tpu.memory_space<hbm>>
    tpu.wait_dma2 semaphore(%arg20 : memref<!tpu.dma_semaphore, #tpu.memory_space<semaphore_mem>>) src(%dma_wait3A_81 : memref<2x80xi32, #tpu.memory_space<hbm>>) dst(%arg7 : memref<2x80xi32, #tpu.memory_space<vmem>>)
    %dma_start3A_82 = arith.constant 0 : i32
    %dma_start3A_83 = arith.constant 0 : i32
    %dma_start3A_84 = tpu.memref_slice %arg7[%dma_start3A_82, %dma_start3A_83] : memref<2x80xi32, #tpu.memory_space<vmem>> -> memref<1x80xi32, #tpu.memory_space<vmem>>
    %dma_start3A_85 = tpu.memref_squeeze %dma_start3A_84 : memref<1x80xi32, #tpu.memory_space<vmem>> -> memref<80xi32, #tpu.memory_space<vmem>>
    %dma_start3A_86 = arith.constant 0 : i32
    %dma_start3A_87 = arith.constant 0 : i32
    %dma_start3A_88 = tpu.memref_slice %arg2[%dma_start3A_86, %dma_start3A_87] : memref<10000x128xf32, #tpu.memory_space<hbm>> -> memref<10000x128xf32, #tpu.memory_space<hbm>>
    tpu.enqueue_indirect_dma source(%dma_start3A_88 : memref<10000x128xf32, #tpu.memory_space<hbm>>) target(%arg11 : memref<80x128xf32, #tpu.memory_space<vmem>>) offsets(%dma_start3A_85 : memref<80xi32, #tpu.memory_space<vmem>>) semaphore(%arg16 : memref<!tpu.dma_semaphore, #tpu.memory_space<semaphore_mem>>)
    %dma_start3A_89 = arith.constant 1 : i32
    %dma_start3A_90 = arith.constant 0 : i32
    %dma_start3A_91 = tpu.memref_slice %arg7[%dma_start3A_89, %dma_start3A_90] : memref<2x80xi32, #tpu.memory_space<vmem>> -> memref<1x80xi32, #tpu.memory_space<vmem>>
    %dma_start3A_92 = tpu.memref_squeeze %dma_start3A_91 : memref<1x80xi32, #tpu.memory_space<vmem>> -> memref<80xi32, #tpu.memory_space<vmem>>
    %dma_start3A_93 = arith.constant 0 : i32
    %dma_start3A_94 = arith.constant 0 : i32
    %dma_start3A_95 = tpu.memref_slice %arg3[%dma_start3A_93, %dma_start3A_94] : memref<200x128xf32, #tpu.memory_space<hbm>> -> memref<200x128xf32, #tpu.memory_space<hbm>>
    tpu.enqueue_indirect_dma source(%dma_start3A_95 : memref<200x128xf32, #tpu.memory_space<hbm>>) target(%arg13 : memref<80x128xf32, #tpu.memory_space<vmem>>) offsets(%dma_start3A_92 : memref<80xi32, #tpu.memory_space<vmem>>) semaphore(%arg18 : memref<!tpu.dma_semaphore, #tpu.memory_space<semaphore_mem>>)
    %dma_wait3A_96 = arith.constant 1 : i32
    %dma_wait3A_97 = arith.constant 0 : i32
    %dma_wait3A_98 = arith.constant 0 : i32
    %dma_wait3A_99 = tpu.memref_slice %arg4[%add3A, %dma_wait3A_96, %dma_wait3A_97, %dma_wait3A_98] : memref<32x125x2x80xi32, #tpu.memory_space<hbm>> -> memref<1x1x2x80xi32, #tpu.memory_space<hbm>>
    %dma_wait3A_100 = tpu.memref_squeeze %dma_wait3A_99 : memref<1x1x2x80xi32, #tpu.memory_space<hbm>> -> memref<2x80xi32, #tpu.memory_space<hbm>>
    %dma_wait3A_101 = arith.constant 0 : i32
    %dma_wait3A_102 = arith.constant 0 : i32
    %dma_wait3A_103 = tpu.memref_slice %arg4[%add3A, %dma_wait3A_96, %dma_wait3A_101, %dma_wait3A_102] : memref<32x125x2x80xi32, #tpu.memory_space<hbm>> -> memref<1x1x2x80xi32, #tpu.memory_space<hbm>>
    %dma_wait3A_104 = tpu.memref_squeeze %dma_wait3A_103 : memref<1x1x2x80xi32, #tpu.memory_space<hbm>> -> memref<2x80xi32, #tpu.memory_space<hbm>>
    tpu.wait_dma2 semaphore(%arg21 : memref<!tpu.dma_semaphore, #tpu.memory_space<semaphore_mem>>) src(%dma_wait3A_104 : memref<2x80xi32, #tpu.memory_space<hbm>>) dst(%arg8 : memref<2x80xi32, #tpu.memory_space<vmem>>)
    %dma_start3A_105 = arith.constant 0 : i32
    %dma_start3A_106 = arith.constant 0 : i32
    %dma_start3A_107 = tpu.memref_slice %arg8[%dma_start3A_105, %dma_start3A_106] : memref<2x80xi32, #tpu.memory_space<vmem>> -> memref<1x80xi32, #tpu.memory_space<vmem>>
    %dma_start3A_108 = tpu.memref_squeeze %dma_start3A_107 : memref<1x80xi32, #tpu.memory_space<vmem>> -> memref<80xi32, #tpu.memory_space<vmem>>
    %dma_start3A_109 = arith.constant 0 : i32
    %dma_start3A_110 = arith.constant 0 : i32
    %dma_start3A_111 = tpu.memref_slice %arg2[%dma_start3A_109, %dma_start3A_110] : memref<10000x128xf32, #tpu.memory_space<hbm>> -> memref<10000x128xf32, #tpu.memory_space<hbm>>
    tpu.enqueue_indirect_dma source(%dma_start3A_111 : memref<10000x128xf32, #tpu.memory_space<hbm>>) target(%arg12 : memref<80x128xf32, #tpu.memory_space<vmem>>) offsets(%dma_start3A_108 : memref<80xi32, #tpu.memory_space<vmem>>) semaphore(%arg17 : memref<!tpu.dma_semaphore, #tpu.memory_space<semaphore_mem>>)
    %dma_start3A_112 = arith.constant 1 : i32
    %dma_start3A_113 = arith.constant 0 : i32
    %dma_start3A_114 = tpu.memref_slice %arg8[%dma_start3A_112, %dma_start3A_113] : memref<2x80xi32, #tpu.memory_space<vmem>> -> memref<1x80xi32, #tpu.memory_space<vmem>>
    %dma_start3A_115 = tpu.memref_squeeze %dma_start3A_114 : memref<1x80xi32, #tpu.memory_space<vmem>> -> memref<80xi32, #tpu.memory_space<vmem>>
    %dma_start3A_116 = arith.constant 0 : i32
    %dma_start3A_117 = arith.constant 0 : i32
    %dma_start3A_118 = tpu.memref_slice %arg3[%dma_start3A_116, %dma_start3A_117] : memref<200x128xf32, #tpu.memory_space<hbm>> -> memref<200x128xf32, #tpu.memory_space<hbm>>
    tpu.enqueue_indirect_dma source(%dma_start3A_118 : memref<200x128xf32, #tpu.memory_space<hbm>>) target(%arg14 : memref<80x128xf32, #tpu.memory_space<vmem>>) offsets(%dma_start3A_115 : memref<80xi32, #tpu.memory_space<vmem>>) semaphore(%arg19 : memref<!tpu.dma_semaphore, #tpu.memory_space<semaphore_mem>>)
    %dma_wait3A_119 = arith.constant 0 : i32
    %dma_wait3A_120 = arith.constant 0 : i32
    %dma_wait3A_121 = arith.constant 0 : i32
    %dma_wait3A_122 = tpu.memref_slice %arg5[%add3A, %dma_wait3A_119, %dma_wait3A_120, %dma_wait3A_121] : memref<32x125x1x80xi32, #tpu.memory_space<hbm>> -> memref<1x1x1x80xi32, #tpu.memory_space<hbm>>
    %dma_wait3A_123 = tpu.memref_squeeze %dma_wait3A_122 : memref<1x1x1x80xi32, #tpu.memory_space<hbm>> -> memref<1x80xi32, #tpu.memory_space<hbm>>
    %dma_wait3A_124 = arith.constant 0 : i32
    %dma_wait3A_125 = arith.constant 0 : i32
    %dma_wait3A_126 = tpu.memref_slice %arg5[%add3A, %dma_wait3A_119, %dma_wait3A_124, %dma_wait3A_125] : memref<32x125x1x80xi32, #tpu.memory_space<hbm>> -> memref<1x1x1x80xi32, #tpu.memory_space<hbm>>
    %dma_wait3A_127 = tpu.memref_squeeze %dma_wait3A_126 : memref<1x1x1x80xi32, #tpu.memory_space<hbm>> -> memref<1x80xi32, #tpu.memory_space<hbm>>
    tpu.wait_dma2 semaphore(%arg22 : memref<!tpu.dma_semaphore, #tpu.memory_space<semaphore_mem>>) src(%dma_wait3A_127 : memref<1x80xi32, #tpu.memory_space<hbm>>) dst(%arg9 : memref<1x80xi32, #tpu.memory_space<vmem>>)
    %dma_wait3A_128 = arith.constant 1 : i32
    %dma_wait3A_129 = arith.constant 0 : i32
    %dma_wait3A_130 = arith.constant 0 : i32
    %dma_wait3A_131 = tpu.memref_slice %arg5[%add3A, %dma_wait3A_128, %dma_wait3A_129, %dma_wait3A_130] : memref<32x125x1x80xi32, #tpu.memory_space<hbm>> -> memref<1x1x1x80xi32, #tpu.memory_space<hbm>>
    %dma_wait3A_132 = tpu.memref_squeeze %dma_wait3A_131 : memref<1x1x1x80xi32, #tpu.memory_space<hbm>> -> memref<1x80xi32, #tpu.memory_space<hbm>>
    %dma_wait3A_133 = arith.constant 0 : i32
    %dma_wait3A_134 = arith.constant 0 : i32
    %dma_wait3A_135 = tpu.memref_slice %arg5[%add3A, %dma_wait3A_128, %dma_wait3A_133, %dma_wait3A_134] : memref<32x125x1x80xi32, #tpu.memory_space<hbm>> -> memref<1x1x1x80xi32, #tpu.memory_space<hbm>>
    %dma_wait3A_136 = tpu.memref_squeeze %dma_wait3A_135 : memref<1x1x1x80xi32, #tpu.memory_space<hbm>> -> memref<1x80xi32, #tpu.memory_space<hbm>>
    tpu.wait_dma2 semaphore(%arg23 : memref<!tpu.dma_semaphore, #tpu.memory_space<semaphore_mem>>) src(%dma_wait3A_136 : memref<1x80xi32, #tpu.memory_space<hbm>>) dst(%arg10 : memref<1x80xi32, #tpu.memory_space<vmem>>)
    %scan3A_137 = arith.constant 0 : i32
    %scan3A_138 = arith.constant 0 : i32
    %scan3A_139 = arith.constant 61 : i32
    %scan3A_140 = arith.addi %scan3A_138, %scan3A_139 : i32
    %scan3A_141 = arith.constant 1 : i32
    scf.for %scan3A_340 = %scan3A_138 to %scan3A_140 step %scan3A_141  : i32 {
      %mul3A_341 = arith.constant 2 : i32
      %mul3A_342 = arith.muli %mul3A_341, %scan3A_340 : i32
      %dma_wait3A_343 = arith.constant 0 : i32
      %dma_wait3A_344 = arith.constant 0 : i32
      %dma_wait3A_345 = tpu.memref_slice %arg7[%dma_wait3A_343, %dma_wait3A_344] : memref<2x80xi32, #tpu.memory_space<vmem>> -> memref<1x80xi32, #tpu.memory_space<vmem>>
      %dma_wait3A_346 = tpu.memref_squeeze %dma_wait3A_345 : memref<1x80xi32, #tpu.memory_space<vmem>> -> memref<80xi32, #tpu.memory_space<vmem>>
      %dma_wait3A_347 = arith.constant 0 : i32
      %dma_wait3A_348 = arith.constant 0 : i32
      %dma_wait3A_349 = tpu.memref_slice %arg2[%dma_wait3A_347, %dma_wait3A_348] : memref<10000x128xf32, #tpu.memory_space<hbm>> -> memref<10000x128xf32, #tpu.memory_space<hbm>>
      tpu.wait_indirect_dma semaphore(%arg16 : memref<!tpu.dma_semaphore, #tpu.memory_space<semaphore_mem>>) src(%dma_wait3A_349 : memref<10000x128xf32, #tpu.memory_space<hbm>>) dst(%arg11 : memref<80x128xf32, #tpu.memory_space<vmem>>)
      %dma_wait3A_350 = arith.constant 1 : i32
      %dma_wait3A_351 = arith.constant 0 : i32
      %dma_wait3A_352 = tpu.memref_slice %arg7[%dma_wait3A_350, %dma_wait3A_351] : memref<2x80xi32, #tpu.memory_space<vmem>> -> memref<1x80xi32, #tpu.memory_space<vmem>>
      %dma_wait3A_353 = tpu.memref_squeeze %dma_wait3A_352 : memref<1x80xi32, #tpu.memory_space<vmem>> -> memref<80xi32, #tpu.memory_space<vmem>>
      %dma_wait3A_354 = arith.constant 0 : i32
      %dma_wait3A_355 = arith.constant 0 : i32
      %dma_wait3A_356 = tpu.memref_slice %arg3[%dma_wait3A_354, %dma_wait3A_355] : memref<200x128xf32, #tpu.memory_space<hbm>> -> memref<200x128xf32, #tpu.memory_space<hbm>>
      tpu.wait_indirect_dma semaphore(%arg18 : memref<!tpu.dma_semaphore, #tpu.memory_space<semaphore_mem>>) src(%dma_wait3A_356 : memref<200x128xf32, #tpu.memory_space<hbm>>) dst(%arg13 : memref<80x128xf32, #tpu.memory_space<vmem>>)
      %add3A_357 = arith.constant 2 : i32
      %add3A_358 = arith.addi %mul3A_342, %add3A_357 : i32
      %dma_start3A_359 = arith.constant 0 : i32
      %dma_start3A_360 = arith.constant 0 : i32
      %dma_start3A_361 = tpu.memref_slice %arg4[%add3A, %add3A_358, %dma_start3A_359, %dma_start3A_360] : memref<32x125x2x80xi32, #tpu.memory_space<hbm>> -> memref<1x1x2x80xi32, #tpu.memory_space<hbm>>
      %dma_start3A_362 = tpu.memref_squeeze %dma_start3A_361 : memref<1x1x2x80xi32, #tpu.memory_space<hbm>> -> memref<2x80xi32, #tpu.memory_space<hbm>>
      %dma_start3A_363 = arith.constant 0 : i32
      %dma_start3A_364 = arith.constant 0 : i32
      %dma_start3A_365 = tpu.memref_slice %arg4[%add3A, %add3A_358, %dma_start3A_363, %dma_start3A_364] : memref<32x125x2x80xi32, #tpu.memory_space<hbm>> -> memref<1x1x2x80xi32, #tpu.memory_space<hbm>>
      %dma_start3A_366 = tpu.memref_squeeze %dma_start3A_365 : memref<1x1x2x80xi32, #tpu.memory_space<hbm>> -> memref<2x80xi32, #tpu.memory_space<hbm>>
      tpu.enqueue_dma source(%dma_start3A_366 : memref<2x80xi32, #tpu.memory_space<hbm>>) target(%arg7 : memref<2x80xi32, #tpu.memory_space<vmem>>) target_semaphore(%arg20 : memref<!tpu.dma_semaphore, #tpu.memory_space<semaphore_mem>>)
      %dma_start3A_367 = arith.constant 0 : i32
      %dma_start3A_368 = arith.constant 0 : i32
      %dma_start3A_369 = tpu.memref_slice %arg9[%dma_start3A_367, %dma_start3A_368] : memref<1x80xi32, #tpu.memory_space<vmem>> -> memref<1x80xi32, #tpu.memory_space<vmem>>
      %dma_start3A_370 = tpu.memref_squeeze %dma_start3A_369 : memref<1x80xi32, #tpu.memory_space<vmem>> -> memref<80xi32, #tpu.memory_space<vmem>>
      %dma_start3A_371 = arith.constant 0 : i32
      %dma_start3A_372 = arith.constant 0 : i32
      %dma_start3A_373 = tpu.memref_slice %arg15[%dma_start3A_371, %dma_start3A_372] : memref<10240x128xf32, #tpu.memory_space<vmem_shared>> -> memref<10240x128xf32, #tpu.memory_space<vmem_shared>>
      tpu.enqueue_indirect_dma source(%arg11 : memref<80x128xf32, #tpu.memory_space<vmem>>) target(%dma_start3A_373 : memref<10240x128xf32, #tpu.memory_space<vmem_shared>>) offsets(%dma_start3A_370 : memref<80xi32, #tpu.memory_space<vmem>>) semaphore(%arg24 : memref<!tpu.dma_semaphore, #tpu.memory_space<semaphore_mem>>) {add = true}
      %dma_start3A_374 = arith.constant 0 : i32
      %dma_start3A_375 = arith.constant 0 : i32
      %dma_start3A_376 = tpu.memref_slice %arg9[%dma_start3A_374, %dma_start3A_375] : memref<1x80xi32, #tpu.memory_space<vmem>> -> memref<1x80xi32, #tpu.memory_space<vmem>>
      %dma_start3A_377 = tpu.memref_squeeze %dma_start3A_376 : memref<1x80xi32, #tpu.memory_space<vmem>> -> memref<80xi32, #tpu.memory_space<vmem>>
      %dma_start3A_378 = arith.constant 0 : i32
      %dma_start3A_379 = arith.constant 0 : i32
      %dma_start3A_380 = tpu.memref_slice %arg15[%dma_start3A_378, %dma_start3A_379] : memref<10240x128xf32, #tpu.memory_space<vmem_shared>> -> memref<10240x128xf32, #tpu.memory_space<vmem_shared>>
      tpu.enqueue_indirect_dma source(%arg13 : memref<80x128xf32, #tpu.memory_space<vmem>>) target(%dma_start3A_380 : memref<10240x128xf32, #tpu.memory_space<vmem_shared>>) offsets(%dma_start3A_377 : memref<80xi32, #tpu.memory_space<vmem>>) semaphore(%arg26 : memref<!tpu.dma_semaphore, #tpu.memory_space<semaphore_mem>>) {add = true}
      %dma_wait3A_381 = arith.constant 0 : i32
      %dma_wait3A_382 = arith.constant 0 : i32
      %dma_wait3A_383 = tpu.memref_slice %arg8[%dma_wait3A_381, %dma_wait3A_382] : memref<2x80xi32, #tpu.memory_space<vmem>> -> memref<1x80xi32, #tpu.memory_space<vmem>>
      %dma_wait3A_384 = tpu.memref_squeeze %dma_wait3A_383 : memref<1x80xi32, #tpu.memory_space<vmem>> -> memref<80xi32, #tpu.memory_space<vmem>>
      %dma_wait3A_385 = arith.constant 0 : i32
      %dma_wait3A_386 = arith.constant 0 : i32
      %dma_wait3A_387 = tpu.memref_slice %arg2[%dma_wait3A_385, %dma_wait3A_386] : memref<10000x128xf32, #tpu.memory_space<hbm>> -> memref<10000x128xf32, #tpu.memory_space<hbm>>
      tpu.wait_indirect_dma semaphore(%arg17 : memref<!tpu.dma_semaphore, #tpu.memory_space<semaphore_mem>>) src(%dma_wait3A_387 : memref<10000x128xf32, #tpu.memory_space<hbm>>) dst(%arg12 : memref<80x128xf32, #tpu.memory_space<vmem>>)
      %dma_wait3A_388 = arith.constant 1 : i32
      %dma_wait3A_389 = arith.constant 0 : i32
      %dma_wait3A_390 = tpu.memref_slice %arg8[%dma_wait3A_388, %dma_wait3A_389] : memref<2x80xi32, #tpu.memory_space<vmem>> -> memref<1x80xi32, #tpu.memory_space<vmem>>
      %dma_wait3A_391 = tpu.memref_squeeze %dma_wait3A_390 : memref<1x80xi32, #tpu.memory_space<vmem>> -> memref<80xi32, #tpu.memory_space<vmem>>
      %dma_wait3A_392 = arith.constant 0 : i32
      %dma_wait3A_393 = arith.constant 0 : i32
      %dma_wait3A_394 = tpu.memref_slice %arg3[%dma_wait3A_392, %dma_wait3A_393] : memref<200x128xf32, #tpu.memory_space<hbm>> -> memref<200x128xf32, #tpu.memory_space<hbm>>
      tpu.wait_indirect_dma semaphore(%arg19 : memref<!tpu.dma_semaphore, #tpu.memory_space<semaphore_mem>>) src(%dma_wait3A_394 : memref<200x128xf32, #tpu.memory_space<hbm>>) dst(%arg14 : memref<80x128xf32, #tpu.memory_space<vmem>>)
      %add3A_395 = arith.constant 3 : i32
      %add3A_396 = arith.addi %mul3A_342, %add3A_395 : i32
      %dma_start3A_397 = arith.constant 0 : i32
      %dma_start3A_398 = arith.constant 0 : i32
      %dma_start3A_399 = tpu.memref_slice %arg4[%add3A, %add3A_396, %dma_start3A_397, %dma_start3A_398] : memref<32x125x2x80xi32, #tpu.memory_space<hbm>> -> memref<1x1x2x80xi32, #tpu.memory_space<hbm>>
      %dma_start3A_400 = tpu.memref_squeeze %dma_start3A_399 : memref<1x1x2x80xi32, #tpu.memory_space<hbm>> -> memref<2x80xi32, #tpu.memory_space<hbm>>
      %dma_start3A_401 = arith.constant 0 : i32
      %dma_start3A_402 = arith.constant 0 : i32
      %dma_start3A_403 = tpu.memref_slice %arg4[%add3A, %add3A_396, %dma_start3A_401, %dma_start3A_402] : memref<32x125x2x80xi32, #tpu.memory_space<hbm>> -> memref<1x1x2x80xi32, #tpu.memory_space<hbm>>
      %dma_start3A_404 = tpu.memref_squeeze %dma_start3A_403 : memref<1x1x2x80xi32, #tpu.memory_space<hbm>> -> memref<2x80xi32, #tpu.memory_space<hbm>>
      tpu.enqueue_dma source(%dma_start3A_404 : memref<2x80xi32, #tpu.memory_space<hbm>>) target(%arg8 : memref<2x80xi32, #tpu.memory_space<vmem>>) target_semaphore(%arg21 : memref<!tpu.dma_semaphore, #tpu.memory_space<semaphore_mem>>)
      %dma_start3A_405 = arith.constant 0 : i32
      %dma_start3A_406 = arith.constant 0 : i32
      %dma_start3A_407 = tpu.memref_slice %arg10[%dma_start3A_405, %dma_start3A_406] : memref<1x80xi32, #tpu.memory_space<vmem>> -> memref<1x80xi32, #tpu.memory_space<vmem>>
      %dma_start3A_408 = tpu.memref_squeeze %dma_start3A_407 : memref<1x80xi32, #tpu.memory_space<vmem>> -> memref<80xi32, #tpu.memory_space<vmem>>
      %dma_start3A_409 = arith.constant 0 : i32
      %dma_start3A_410 = arith.constant 0 : i32
      %dma_start3A_411 = tpu.memref_slice %arg15[%dma_start3A_409, %dma_start3A_410] : memref<10240x128xf32, #tpu.memory_space<vmem_shared>> -> memref<10240x128xf32, #tpu.memory_space<vmem_shared>>
      tpu.enqueue_indirect_dma source(%arg12 : memref<80x128xf32, #tpu.memory_space<vmem>>) target(%dma_start3A_411 : memref<10240x128xf32, #tpu.memory_space<vmem_shared>>) offsets(%dma_start3A_408 : memref<80xi32, #tpu.memory_space<vmem>>) semaphore(%arg25 : memref<!tpu.dma_semaphore, #tpu.memory_space<semaphore_mem>>) {add = true}
      %dma_start3A_412 = arith.constant 0 : i32
      %dma_start3A_413 = arith.constant 0 : i32
      %dma_start3A_414 = tpu.memref_slice %arg10[%dma_start3A_412, %dma_start3A_413] : memref<1x80xi32, #tpu.memory_space<vmem>> -> memref<1x80xi32, #tpu.memory_space<vmem>>
      %dma_start3A_415 = tpu.memref_squeeze %dma_start3A_414 : memref<1x80xi32, #tpu.memory_space<vmem>> -> memref<80xi32, #tpu.memory_space<vmem>>
      %dma_start3A_416 = arith.constant 0 : i32
      %dma_start3A_417 = arith.constant 0 : i32
      %dma_start3A_418 = tpu.memref_slice %arg15[%dma_start3A_416, %dma_start3A_417] : memref<10240x128xf32, #tpu.memory_space<vmem_shared>> -> memref<10240x128xf32, #tpu.memory_space<vmem_shared>>
      tpu.enqueue_indirect_dma source(%arg14 : memref<80x128xf32, #tpu.memory_space<vmem>>) target(%dma_start3A_418 : memref<10240x128xf32, #tpu.memory_space<vmem_shared>>) offsets(%dma_start3A_415 : memref<80xi32, #tpu.memory_space<vmem>>) semaphore(%arg27 : memref<!tpu.dma_semaphore, #tpu.memory_space<semaphore_mem>>) {add = true}
      %dma_wait3A_419 = arith.constant 0 : i32
      %dma_wait3A_420 = arith.constant 0 : i32
      %dma_wait3A_421 = tpu.memref_slice %arg9[%dma_wait3A_419, %dma_wait3A_420] : memref<1x80xi32, #tpu.memory_space<vmem>> -> memref<1x80xi32, #tpu.memory_space<vmem>>
      %dma_wait3A_422 = tpu.memref_squeeze %dma_wait3A_421 : memref<1x80xi32, #tpu.memory_space<vmem>> -> memref<80xi32, #tpu.memory_space<vmem>>
      %dma_wait3A_423 = arith.constant 0 : i32
      %dma_wait3A_424 = arith.constant 0 : i32
      %dma_wait3A_425 = tpu.memref_slice %arg15[%dma_wait3A_423, %dma_wait3A_424] : memref<10240x128xf32, #tpu.memory_space<vmem_shared>> -> memref<10240x128xf32, #tpu.memory_space<vmem_shared>>
      tpu.wait_indirect_dma semaphore(%arg24 : memref<!tpu.dma_semaphore, #tpu.memory_space<semaphore_mem>>) src(%arg11 : memref<80x128xf32, #tpu.memory_space<vmem>>) dst(%dma_wait3A_425 : memref<10240x128xf32, #tpu.memory_space<vmem_shared>>)
      %dma_wait3A_426 = arith.constant 0 : i32
      %dma_wait3A_427 = arith.constant 0 : i32
      %dma_wait3A_428 = tpu.memref_slice %arg9[%dma_wait3A_426, %dma_wait3A_427] : memref<1x80xi32, #tpu.memory_space<vmem>> -> memref<1x80xi32, #tpu.memory_space<vmem>>
      %dma_wait3A_429 = tpu.memref_squeeze %dma_wait3A_428 : memref<1x80xi32, #tpu.memory_space<vmem>> -> memref<80xi32, #tpu.memory_space<vmem>>
      %dma_wait3A_430 = arith.constant 0 : i32
      %dma_wait3A_431 = arith.constant 0 : i32
      %dma_wait3A_432 = tpu.memref_slice %arg15[%dma_wait3A_430, %dma_wait3A_431] : memref<10240x128xf32, #tpu.memory_space<vmem_shared>> -> memref<10240x128xf32, #tpu.memory_space<vmem_shared>>
      tpu.wait_indirect_dma semaphore(%arg26 : memref<!tpu.dma_semaphore, #tpu.memory_space<semaphore_mem>>) src(%arg13 : memref<80x128xf32, #tpu.memory_space<vmem>>) dst(%dma_wait3A_432 : memref<10240x128xf32, #tpu.memory_space<vmem_shared>>)
      %add3A_433 = arith.constant 2 : i32
      %add3A_434 = arith.addi %mul3A_342, %add3A_433 : i32
      %dma_start3A_435 = arith.constant 0 : i32
      %dma_start3A_436 = arith.constant 0 : i32
      %dma_start3A_437 = tpu.memref_slice %arg5[%add3A, %add3A_434, %dma_start3A_435, %dma_start3A_436] : memref<32x125x1x80xi32, #tpu.memory_space<hbm>> -> memref<1x1x1x80xi32, #tpu.memory_space<hbm>>
      %dma_start3A_438 = tpu.memref_squeeze %dma_start3A_437 : memref<1x1x1x80xi32, #tpu.memory_space<hbm>> -> memref<1x80xi32, #tpu.memory_space<hbm>>
      %dma_start3A_439 = arith.constant 0 : i32
      %dma_start3A_440 = arith.constant 0 : i32
      %dma_start3A_441 = tpu.memref_slice %arg5[%add3A, %add3A_434, %dma_start3A_439, %dma_start3A_440] : memref<32x125x1x80xi32, #tpu.memory_space<hbm>> -> memref<1x1x1x80xi32, #tpu.memory_space<hbm>>
      %dma_start3A_442 = tpu.memref_squeeze %dma_start3A_441 : memref<1x1x1x80xi32, #tpu.memory_space<hbm>> -> memref<1x80xi32, #tpu.memory_space<hbm>>
      tpu.enqueue_dma source(%dma_start3A_442 : memref<1x80xi32, #tpu.memory_space<hbm>>) target(%arg9 : memref<1x80xi32, #tpu.memory_space<vmem>>) target_semaphore(%arg22 : memref<!tpu.dma_semaphore, #tpu.memory_space<semaphore_mem>>)
      %add3A_443 = arith.constant 2 : i32
      %add3A_444 = arith.addi %mul3A_342, %add3A_443 : i32
      %dma_wait3A_445 = arith.constant 0 : i32
      %dma_wait3A_446 = arith.constant 0 : i32
      %dma_wait3A_447 = tpu.memref_slice %arg4[%add3A, %add3A_444, %dma_wait3A_445, %dma_wait3A_446] : memref<32x125x2x80xi32, #tpu.memory_space<hbm>> -> memref<1x1x2x80xi32, #tpu.memory_space<hbm>>
      %dma_wait3A_448 = tpu.memref_squeeze %dma_wait3A_447 : memref<1x1x2x80xi32, #tpu.memory_space<hbm>> -> memref<2x80xi32, #tpu.memory_space<hbm>>
      %dma_wait3A_449 = arith.constant 0 : i32
      %dma_wait3A_450 = arith.constant 0 : i32
      %dma_wait3A_451 = tpu.memref_slice %arg4[%add3A, %add3A_444, %dma_wait3A_449, %dma_wait3A_450] : memref<32x125x2x80xi32, #tpu.memory_space<hbm>> -> memref<1x1x2x80xi32, #tpu.memory_space<hbm>>
      %dma_wait3A_452 = tpu.memref_squeeze %dma_wait3A_451 : memref<1x1x2x80xi32, #tpu.memory_space<hbm>> -> memref<2x80xi32, #tpu.memory_space<hbm>>
      tpu.wait_dma2 semaphore(%arg20 : memref<!tpu.dma_semaphore, #tpu.memory_space<semaphore_mem>>) src(%dma_wait3A_452 : memref<2x80xi32, #tpu.memory_space<hbm>>) dst(%arg7 : memref<2x80xi32, #tpu.memory_space<vmem>>)
      %dma_start3A_453 = arith.constant 0 : i32
      %dma_start3A_454 = arith.constant 0 : i32
      %dma_start3A_455 = tpu.memref_slice %arg7[%dma_start3A_453, %dma_start3A_454] : memref<2x80xi32, #tpu.memory_space<vmem>> -> memref<1x80xi32, #tpu.memory_space<vmem>>
      %dma_start3A_456 = tpu.memref_squeeze %dma_start3A_455 : memref<1x80xi32, #tpu.memory_space<vmem>> -> memref<80xi32, #tpu.memory_space<vmem>>
      %dma_start3A_457 = arith.constant 0 : i32
      %dma_start3A_458 = arith.constant 0 : i32
      %dma_start3A_459 = tpu.memref_slice %arg2[%dma_start3A_457, %dma_start3A_458] : memref<10000x128xf32, #tpu.memory_space<hbm>> -> memref<10000x128xf32, #tpu.memory_space<hbm>>
      tpu.enqueue_indirect_dma source(%dma_start3A_459 : memref<10000x128xf32, #tpu.memory_space<hbm>>) target(%arg11 : memref<80x128xf32, #tpu.memory_space<vmem>>) offsets(%dma_start3A_456 : memref<80xi32, #tpu.memory_space<vmem>>) semaphore(%arg16 : memref<!tpu.dma_semaphore, #tpu.memory_space<semaphore_mem>>)
      %dma_start3A_460 = arith.constant 1 : i32
      %dma_start3A_461 = arith.constant 0 : i32
      %dma_start3A_462 = tpu.memref_slice %arg7[%dma_start3A_460, %dma_start3A_461] : memref<2x80xi32, #tpu.memory_space<vmem>> -> memref<1x80xi32, #tpu.memory_space<vmem>>
      %dma_start3A_463 = tpu.memref_squeeze %dma_start3A_462 : memref<1x80xi32, #tpu.memory_space<vmem>> -> memref<80xi32, #tpu.memory_space<vmem>>
      %dma_start3A_464 = arith.constant 0 : i32
      %dma_start3A_465 = arith.constant 0 : i32
      %dma_start3A_466 = tpu.memref_slice %arg3[%dma_start3A_464, %dma_start3A_465] : memref<200x128xf32, #tpu.memory_space<hbm>> -> memref<200x128xf32, #tpu.memory_space<hbm>>
      tpu.enqueue_indirect_dma source(%dma_start3A_466 : memref<200x128xf32, #tpu.memory_space<hbm>>) target(%arg13 : memref<80x128xf32, #tpu.memory_space<vmem>>) offsets(%dma_start3A_463 : memref<80xi32, #tpu.memory_space<vmem>>) semaphore(%arg18 : memref<!tpu.dma_semaphore, #tpu.memory_space<semaphore_mem>>)
      %dma_wait3A_467 = arith.constant 0 : i32
      %dma_wait3A_468 = arith.constant 0 : i32
      %dma_wait3A_469 = tpu.memref_slice %arg10[%dma_wait3A_467, %dma_wait3A_468] : memref<1x80xi32, #tpu.memory_space<vmem>> -> memref<1x80xi32, #tpu.memory_space<vmem>>
      %dma_wait3A_470 = tpu.memref_squeeze %dma_wait3A_469 : memref<1x80xi32, #tpu.memory_space<vmem>> -> memref<80xi32, #tpu.memory_space<vmem>>
      %dma_wait3A_471 = arith.constant 0 : i32
      %dma_wait3A_472 = arith.constant 0 : i32
      %dma_wait3A_473 = tpu.memref_slice %arg15[%dma_wait3A_471, %dma_wait3A_472] : memref<10240x128xf32, #tpu.memory_space<vmem_shared>> -> memref<10240x128xf32, #tpu.memory_space<vmem_shared>>
      tpu.wait_indirect_dma semaphore(%arg25 : memref<!tpu.dma_semaphore, #tpu.memory_space<semaphore_mem>>) src(%arg12 : memref<80x128xf32, #tpu.memory_space<vmem>>) dst(%dma_wait3A_473 : memref<10240x128xf32, #tpu.memory_space<vmem_shared>>)
      %dma_wait3A_474 = arith.constant 0 : i32
      %dma_wait3A_475 = arith.constant 0 : i32
      %dma_wait3A_476 = tpu.memref_slice %arg10[%dma_wait3A_474, %dma_wait3A_475] : memref<1x80xi32, #tpu.memory_space<vmem>> -> memref<1x80xi32, #tpu.memory_space<vmem>>
      %dma_wait3A_477 = tpu.memref_squeeze %dma_wait3A_476 : memref<1x80xi32, #tpu.memory_space<vmem>> -> memref<80xi32, #tpu.memory_space<vmem>>
      %dma_wait3A_478 = arith.constant 0 : i32
      %dma_wait3A_479 = arith.constant 0 : i32
      %dma_wait3A_480 = tpu.memref_slice %arg15[%dma_wait3A_478, %dma_wait3A_479] : memref<10240x128xf32, #tpu.memory_space<vmem_shared>> -> memref<10240x128xf32, #tpu.memory_space<vmem_shared>>
      tpu.wait_indirect_dma semaphore(%arg27 : memref<!tpu.dma_semaphore, #tpu.memory_space<semaphore_mem>>) src(%arg14 : memref<80x128xf32, #tpu.memory_space<vmem>>) dst(%dma_wait3A_480 : memref<10240x128xf32, #tpu.memory_space<vmem_shared>>)
      %add3A_481 = arith.constant 3 : i32
      %add3A_482 = arith.addi %mul3A_342, %add3A_481 : i32
      %dma_start3A_483 = arith.constant 0 : i32
      %dma_start3A_484 = arith.constant 0 : i32
      %dma_start3A_485 = tpu.memref_slice %arg5[%add3A, %add3A_482, %dma_start3A_483, %dma_start3A_484] : memref<32x125x1x80xi32, #tpu.memory_space<hbm>> -> memref<1x1x1x80xi32, #tpu.memory_space<hbm>>
      %dma_start3A_486 = tpu.memref_squeeze %dma_start3A_485 : memref<1x1x1x80xi32, #tpu.memory_space<hbm>> -> memref<1x80xi32, #tpu.memory_space<hbm>>
      %dma_start3A_487 = arith.constant 0 : i32
      %dma_start3A_488 = arith.constant 0 : i32
      %dma_start3A_489 = tpu.memref_slice %arg5[%add3A, %add3A_482, %dma_start3A_487, %dma_start3A_488] : memref<32x125x1x80xi32, #tpu.memory_space<hbm>> -> memref<1x1x1x80xi32, #tpu.memory_space<hbm>>
      %dma_start3A_490 = tpu.memref_squeeze %dma_start3A_489 : memref<1x1x1x80xi32, #tpu.memory_space<hbm>> -> memref<1x80xi32, #tpu.memory_space<hbm>>
      tpu.enqueue_dma source(%dma_start3A_490 : memref<1x80xi32, #tpu.memory_space<hbm>>) target(%arg10 : memref<1x80xi32, #tpu.memory_space<vmem>>) target_semaphore(%arg23 : memref<!tpu.dma_semaphore, #tpu.memory_space<semaphore_mem>>)
      %add3A_491 = arith.constant 3 : i32
      %add3A_492 = arith.addi %mul3A_342, %add3A_491 : i32
      %dma_wait3A_493 = arith.constant 0 : i32
      %dma_wait3A_494 = arith.constant 0 : i32
      %dma_wait3A_495 = tpu.memref_slice %arg4[%add3A, %add3A_492, %dma_wait3A_493, %dma_wait3A_494] : memref<32x125x2x80xi32, #tpu.memory_space<hbm>> -> memref<1x1x2x80xi32, #tpu.memory_space<hbm>>
      %dma_wait3A_496 = tpu.memref_squeeze %dma_wait3A_495 : memref<1x1x2x80xi32, #tpu.memory_space<hbm>> -> memref<2x80xi32, #tpu.memory_space<hbm>>
      %dma_wait3A_497 = arith.constant 0 : i32
      %dma_wait3A_498 = arith.constant 0 : i32
      %dma_wait3A_499 = tpu.memref_slice %arg4[%add3A, %add3A_492, %dma_wait3A_497, %dma_wait3A_498] : memref<32x125x2x80xi32, #tpu.memory_space<hbm>> -> memref<1x1x2x80xi32, #tpu.memory_space<hbm>>
      %dma_wait3A_500 = tpu.memref_squeeze %dma_wait3A_499 : memref<1x1x2x80xi32, #tpu.memory_space<hbm>> -> memref<2x80xi32, #tpu.memory_space<hbm>>
      tpu.wait_dma2 semaphore(%arg21 : memref<!tpu.dma_semaphore, #tpu.memory_space<semaphore_mem>>) src(%dma_wait3A_500 : memref<2x80xi32, #tpu.memory_space<hbm>>) dst(%arg8 : memref<2x80xi32, #tpu.memory_space<vmem>>)
      %dma_start3A_501 = arith.constant 0 : i32
      %dma_start3A_502 = arith.constant 0 : i32
      %dma_start3A_503 = tpu.memref_slice %arg8[%dma_start3A_501, %dma_start3A_502] : memref<2x80xi32, #tpu.memory_space<vmem>> -> memref<1x80xi32, #tpu.memory_space<vmem>>
      %dma_start3A_504 = tpu.memref_squeeze %dma_start3A_503 : memref<1x80xi32, #tpu.memory_space<vmem>> -> memref<80xi32, #tpu.memory_space<vmem>>
      %dma_start3A_505 = arith.constant 0 : i32
      %dma_start3A_506 = arith.constant 0 : i32
      %dma_start3A_507 = tpu.memref_slice %arg2[%dma_start3A_505, %dma_start3A_506] : memref<10000x128xf32, #tpu.memory_space<hbm>> -> memref<10000x128xf32, #tpu.memory_space<hbm>>
      tpu.enqueue_indirect_dma source(%dma_start3A_507 : memref<10000x128xf32, #tpu.memory_space<hbm>>) target(%arg12 : memref<80x128xf32, #tpu.memory_space<vmem>>) offsets(%dma_start3A_504 : memref<80xi32, #tpu.memory_space<vmem>>) semaphore(%arg17 : memref<!tpu.dma_semaphore, #tpu.memory_space<semaphore_mem>>)
      %dma_start3A_508 = arith.constant 1 : i32
      %dma_start3A_509 = arith.constant 0 : i32
      %dma_start3A_510 = tpu.memref_slice %arg8[%dma_start3A_508, %dma_start3A_509] : memref<2x80xi32, #tpu.memory_space<vmem>> -> memref<1x80xi32, #tpu.memory_space<vmem>>
      %dma_start3A_511 = tpu.memref_squeeze %dma_start3A_510 : memref<1x80xi32, #tpu.memory_space<vmem>> -> memref<80xi32, #tpu.memory_space<vmem>>
      %dma_start3A_512 = arith.constant 0 : i32
      %dma_start3A_513 = arith.constant 0 : i32
      %dma_start3A_514 = tpu.memref_slice %arg3[%dma_start3A_512, %dma_start3A_513] : memref<200x128xf32, #tpu.memory_space<hbm>> -> memref<200x128xf32, #tpu.memory_space<hbm>>
      tpu.enqueue_indirect_dma source(%dma_start3A_514 : memref<200x128xf32, #tpu.memory_space<hbm>>) target(%arg14 : memref<80x128xf32, #tpu.memory_space<vmem>>) offsets(%dma_start3A_511 : memref<80xi32, #tpu.memory_space<vmem>>) semaphore(%arg19 : memref<!tpu.dma_semaphore, #tpu.memory_space<semaphore_mem>>)
      %add3A_515 = arith.constant 2 : i32
      %add3A_516 = arith.addi %mul3A_342, %add3A_515 : i32
      %dma_wait3A_517 = arith.constant 0 : i32
      %dma_wait3A_518 = arith.constant 0 : i32
      %dma_wait3A_519 = tpu.memref_slice %arg5[%add3A, %add3A_516, %dma_wait3A_517, %dma_wait3A_518] : memref<32x125x1x80xi32, #tpu.memory_space<hbm>> -> memref<1x1x1x80xi32, #tpu.memory_space<hbm>>
      %dma_wait3A_520 = tpu.memref_squeeze %dma_wait3A_519 : memref<1x1x1x80xi32, #tpu.memory_space<hbm>> -> memref<1x80xi32, #tpu.memory_space<hbm>>
      %dma_wait3A_521 = arith.constant 0 : i32
      %dma_wait3A_522 = arith.constant 0 : i32
      %dma_wait3A_523 = tpu.memref_slice %arg5[%add3A, %add3A_516, %dma_wait3A_521, %dma_wait3A_522] : memref<32x125x1x80xi32, #tpu.memory_space<hbm>> -> memref<1x1x1x80xi32, #tpu.memory_space<hbm>>
      %dma_wait3A_524 = tpu.memref_squeeze %dma_wait3A_523 : memref<1x1x1x80xi32, #tpu.memory_space<hbm>> -> memref<1x80xi32, #tpu.memory_space<hbm>>
      tpu.wait_dma2 semaphore(%arg22 : memref<!tpu.dma_semaphore, #tpu.memory_space<semaphore_mem>>) src(%dma_wait3A_524 : memref<1x80xi32, #tpu.memory_space<hbm>>) dst(%arg9 : memref<1x80xi32, #tpu.memory_space<vmem>>)
      %add3A_525 = arith.constant 3 : i32
      %add3A_526 = arith.addi %mul3A_342, %add3A_525 : i32
      %dma_wait3A_527 = arith.constant 0 : i32
      %dma_wait3A_528 = arith.constant 0 : i32
      %dma_wait3A_529 = tpu.memref_slice %arg5[%add3A, %add3A_526, %dma_wait3A_527, %dma_wait3A_528] : memref<32x125x1x80xi32, #tpu.memory_space<hbm>> -> memref<1x1x1x80xi32, #tpu.memory_space<hbm>>
      %dma_wait3A_530 = tpu.memref_squeeze %dma_wait3A_529 : memref<1x1x1x80xi32, #tpu.memory_space<hbm>> -> memref<1x80xi32, #tpu.memory_space<hbm>>
      %dma_wait3A_531 = arith.constant 0 : i32
      %dma_wait3A_532 = arith.constant 0 : i32
      %dma_wait3A_533 = tpu.memref_slice %arg5[%add3A, %add3A_526, %dma_wait3A_531, %dma_wait3A_532] : memref<32x125x1x80xi32, #tpu.memory_space<hbm>> -> memref<1x1x1x80xi32, #tpu.memory_space<hbm>>
      %dma_wait3A_534 = tpu.memref_squeeze %dma_wait3A_533 : memref<1x1x1x80xi32, #tpu.memory_space<hbm>> -> memref<1x80xi32, #tpu.memory_space<hbm>>
      tpu.wait_dma2 semaphore(%arg23 : memref<!tpu.dma_semaphore, #tpu.memory_space<semaphore_mem>>) src(%dma_wait3A_534 : memref<1x80xi32, #tpu.memory_space<hbm>>) dst(%arg10 : memref<1x80xi32, #tpu.memory_space<vmem>>)
    }
    %scan3A_142 = arith.constant 61 : i32
    %dma_wait3A_143 = arith.constant 0 : i32
    %dma_wait3A_144 = arith.constant 0 : i32
    %dma_wait3A_145 = tpu.memref_slice %arg7[%dma_wait3A_143, %dma_wait3A_144] : memref<2x80xi32, #tpu.memory_space<vmem>> -> memref<1x80xi32, #tpu.memory_space<vmem>>
    %dma_wait3A_146 = tpu.memref_squeeze %dma_wait3A_145 : memref<1x80xi32, #tpu.memory_space<vmem>> -> memref<80xi32, #tpu.memory_space<vmem>>
    %dma_wait3A_147 = arith.constant 0 : i32
    %dma_wait3A_148 = arith.constant 0 : i32
    %dma_wait3A_149 = tpu.memref_slice %arg2[%dma_wait3A_147, %dma_wait3A_148] : memref<10000x128xf32, #tpu.memory_space<hbm>> -> memref<10000x128xf32, #tpu.memory_space<hbm>>
    tpu.wait_indirect_dma semaphore(%arg16 : memref<!tpu.dma_semaphore, #tpu.memory_space<semaphore_mem>>) src(%dma_wait3A_149 : memref<10000x128xf32, #tpu.memory_space<hbm>>) dst(%arg11 : memref<80x128xf32, #tpu.memory_space<vmem>>)
    %dma_wait3A_150 = arith.constant 1 : i32
    %dma_wait3A_151 = arith.constant 0 : i32
    %dma_wait3A_152 = tpu.memref_slice %arg7[%dma_wait3A_150, %dma_wait3A_151] : memref<2x80xi32, #tpu.memory_space<vmem>> -> memref<1x80xi32, #tpu.memory_space<vmem>>
    %dma_wait3A_153 = tpu.memref_squeeze %dma_wait3A_152 : memref<1x80xi32, #tpu.memory_space<vmem>> -> memref<80xi32, #tpu.memory_space<vmem>>
    %dma_wait3A_154 = arith.constant 0 : i32
    %dma_wait3A_155 = arith.constant 0 : i32
    %dma_wait3A_156 = tpu.memref_slice %arg3[%dma_wait3A_154, %dma_wait3A_155] : memref<200x128xf32, #tpu.memory_space<hbm>> -> memref<200x128xf32, #tpu.memory_space<hbm>>
    tpu.wait_indirect_dma semaphore(%arg18 : memref<!tpu.dma_semaphore, #tpu.memory_space<semaphore_mem>>) src(%dma_wait3A_156 : memref<200x128xf32, #tpu.memory_space<hbm>>) dst(%arg13 : memref<80x128xf32, #tpu.memory_space<vmem>>)
    %dma_start3A_157 = arith.constant 124 : i32
    %dma_start3A_158 = arith.constant 0 : i32
    %dma_start3A_159 = arith.constant 0 : i32
    %dma_start3A_160 = tpu.memref_slice %arg4[%add3A, %dma_start3A_157, %dma_start3A_158, %dma_start3A_159] : memref<32x125x2x80xi32, #tpu.memory_space<hbm>> -> memref<1x1x2x80xi32, #tpu.memory_space<hbm>>
    %dma_start3A_161 = tpu.memref_squeeze %dma_start3A_160 : memref<1x1x2x80xi32, #tpu.memory_space<hbm>> -> memref<2x80xi32, #tpu.memory_space<hbm>>
    %dma_start3A_162 = arith.constant 0 : i32
    %dma_start3A_163 = arith.constant 0 : i32
    %dma_start3A_164 = tpu.memref_slice %arg4[%add3A, %dma_start3A_157, %dma_start3A_162, %dma_start3A_163] : memref<32x125x2x80xi32, #tpu.memory_space<hbm>> -> memref<1x1x2x80xi32, #tpu.memory_space<hbm>>
    %dma_start3A_165 = tpu.memref_squeeze %dma_start3A_164 : memref<1x1x2x80xi32, #tpu.memory_space<hbm>> -> memref<2x80xi32, #tpu.memory_space<hbm>>
    tpu.enqueue_dma source(%dma_start3A_165 : memref<2x80xi32, #tpu.memory_space<hbm>>) target(%arg7 : memref<2x80xi32, #tpu.memory_space<vmem>>) target_semaphore(%arg20 : memref<!tpu.dma_semaphore, #tpu.memory_space<semaphore_mem>>)
    %dma_start3A_166 = arith.constant 0 : i32
    %dma_start3A_167 = arith.constant 0 : i32
    %dma_start3A_168 = tpu.memref_slice %arg9[%dma_start3A_166, %dma_start3A_167] : memref<1x80xi32, #tpu.memory_space<vmem>> -> memref<1x80xi32, #tpu.memory_space<vmem>>
    %dma_start3A_169 = tpu.memref_squeeze %dma_start3A_168 : memref<1x80xi32, #tpu.memory_space<vmem>> -> memref<80xi32, #tpu.memory_space<vmem>>
    %dma_start3A_170 = arith.constant 0 : i32
    %dma_start3A_171 = arith.constant 0 : i32
    %dma_start3A_172 = tpu.memref_slice %arg15[%dma_start3A_170, %dma_start3A_171] : memref<10240x128xf32, #tpu.memory_space<vmem_shared>> -> memref<10240x128xf32, #tpu.memory_space<vmem_shared>>
    tpu.enqueue_indirect_dma source(%arg11 : memref<80x128xf32, #tpu.memory_space<vmem>>) target(%dma_start3A_172 : memref<10240x128xf32, #tpu.memory_space<vmem_shared>>) offsets(%dma_start3A_169 : memref<80xi32, #tpu.memory_space<vmem>>) semaphore(%arg24 : memref<!tpu.dma_semaphore, #tpu.memory_space<semaphore_mem>>) {add = true}
    %dma_start3A_173 = arith.constant 0 : i32
    %dma_start3A_174 = arith.constant 0 : i32
    %dma_start3A_175 = tpu.memref_slice %arg9[%dma_start3A_173, %dma_start3A_174] : memref<1x80xi32, #tpu.memory_space<vmem>> -> memref<1x80xi32, #tpu.memory_space<vmem>>
    %dma_start3A_176 = tpu.memref_squeeze %dma_start3A_175 : memref<1x80xi32, #tpu.memory_space<vmem>> -> memref<80xi32, #tpu.memory_space<vmem>>
    %dma_start3A_177 = arith.constant 0 : i32
    %dma_start3A_178 = arith.constant 0 : i32
    %dma_start3A_179 = tpu.memref_slice %arg15[%dma_start3A_177, %dma_start3A_178] : memref<10240x128xf32, #tpu.memory_space<vmem_shared>> -> memref<10240x128xf32, #tpu.memory_space<vmem_shared>>
    tpu.enqueue_indirect_dma source(%arg13 : memref<80x128xf32, #tpu.memory_space<vmem>>) target(%dma_start3A_179 : memref<10240x128xf32, #tpu.memory_space<vmem_shared>>) offsets(%dma_start3A_176 : memref<80xi32, #tpu.memory_space<vmem>>) semaphore(%arg26 : memref<!tpu.dma_semaphore, #tpu.memory_space<semaphore_mem>>) {add = true}
    %dma_wait3A_180 = arith.constant 0 : i32
    %dma_wait3A_181 = arith.constant 0 : i32
    %dma_wait3A_182 = tpu.memref_slice %arg8[%dma_wait3A_180, %dma_wait3A_181] : memref<2x80xi32, #tpu.memory_space<vmem>> -> memref<1x80xi32, #tpu.memory_space<vmem>>
    %dma_wait3A_183 = tpu.memref_squeeze %dma_wait3A_182 : memref<1x80xi32, #tpu.memory_space<vmem>> -> memref<80xi32, #tpu.memory_space<vmem>>
    %dma_wait3A_184 = arith.constant 0 : i32
    %dma_wait3A_185 = arith.constant 0 : i32
    %dma_wait3A_186 = tpu.memref_slice %arg2[%dma_wait3A_184, %dma_wait3A_185] : memref<10000x128xf32, #tpu.memory_space<hbm>> -> memref<10000x128xf32, #tpu.memory_space<hbm>>
    tpu.wait_indirect_dma semaphore(%arg17 : memref<!tpu.dma_semaphore, #tpu.memory_space<semaphore_mem>>) src(%dma_wait3A_186 : memref<10000x128xf32, #tpu.memory_space<hbm>>) dst(%arg12 : memref<80x128xf32, #tpu.memory_space<vmem>>)
    %dma_wait3A_187 = arith.constant 1 : i32
    %dma_wait3A_188 = arith.constant 0 : i32
    %dma_wait3A_189 = tpu.memref_slice %arg8[%dma_wait3A_187, %dma_wait3A_188] : memref<2x80xi32, #tpu.memory_space<vmem>> -> memref<1x80xi32, #tpu.memory_space<vmem>>
    %dma_wait3A_190 = tpu.memref_squeeze %dma_wait3A_189 : memref<1x80xi32, #tpu.memory_space<vmem>> -> memref<80xi32, #tpu.memory_space<vmem>>
    %dma_wait3A_191 = arith.constant 0 : i32
    %dma_wait3A_192 = arith.constant 0 : i32
    %dma_wait3A_193 = tpu.memref_slice %arg3[%dma_wait3A_191, %dma_wait3A_192] : memref<200x128xf32, #tpu.memory_space<hbm>> -> memref<200x128xf32, #tpu.memory_space<hbm>>
    tpu.wait_indirect_dma semaphore(%arg19 : memref<!tpu.dma_semaphore, #tpu.memory_space<semaphore_mem>>) src(%dma_wait3A_193 : memref<200x128xf32, #tpu.memory_space<hbm>>) dst(%arg14 : memref<80x128xf32, #tpu.memory_space<vmem>>)
    %dma_start3A_194 = arith.constant 0 : i32
    %dma_start3A_195 = arith.constant 0 : i32
    %dma_start3A_196 = tpu.memref_slice %arg10[%dma_start3A_194, %dma_start3A_195] : memref<1x80xi32, #tpu.memory_space<vmem>> -> memref<1x80xi32, #tpu.memory_space<vmem>>
    %dma_start3A_197 = tpu.memref_squeeze %dma_start3A_196 : memref<1x80xi32, #tpu.memory_space<vmem>> -> memref<80xi32, #tpu.memory_space<vmem>>
    %dma_start3A_198 = arith.constant 0 : i32
    %dma_start3A_199 = arith.constant 0 : i32
    %dma_start3A_200 = tpu.memref_slice %arg15[%dma_start3A_198, %dma_start3A_199] : memref<10240x128xf32, #tpu.memory_space<vmem_shared>> -> memref<10240x128xf32, #tpu.memory_space<vmem_shared>>
    tpu.enqueue_indirect_dma source(%arg12 : memref<80x128xf32, #tpu.memory_space<vmem>>) target(%dma_start3A_200 : memref<10240x128xf32, #tpu.memory_space<vmem_shared>>) offsets(%dma_start3A_197 : memref<80xi32, #tpu.memory_space<vmem>>) semaphore(%arg25 : memref<!tpu.dma_semaphore, #tpu.memory_space<semaphore_mem>>) {add = true}
    %dma_start3A_201 = arith.constant 0 : i32
    %dma_start3A_202 = arith.constant 0 : i32
    %dma_start3A_203 = tpu.memref_slice %arg10[%dma_start3A_201, %dma_start3A_202] : memref<1x80xi32, #tpu.memory_space<vmem>> -> memref<1x80xi32, #tpu.memory_space<vmem>>
    %dma_start3A_204 = tpu.memref_squeeze %dma_start3A_203 : memref<1x80xi32, #tpu.memory_space<vmem>> -> memref<80xi32, #tpu.memory_space<vmem>>
    %dma_start3A_205 = arith.constant 0 : i32
    %dma_start3A_206 = arith.constant 0 : i32
    %dma_start3A_207 = tpu.memref_slice %arg15[%dma_start3A_205, %dma_start3A_206] : memref<10240x128xf32, #tpu.memory_space<vmem_shared>> -> memref<10240x128xf32, #tpu.memory_space<vmem_shared>>
    tpu.enqueue_indirect_dma source(%arg14 : memref<80x128xf32, #tpu.memory_space<vmem>>) target(%dma_start3A_207 : memref<10240x128xf32, #tpu.memory_space<vmem_shared>>) offsets(%dma_start3A_204 : memref<80xi32, #tpu.memory_space<vmem>>) semaphore(%arg27 : memref<!tpu.dma_semaphore, #tpu.memory_space<semaphore_mem>>) {add = true}
    %dma_wait3A_208 = arith.constant 0 : i32
    %dma_wait3A_209 = arith.constant 0 : i32
    %dma_wait3A_210 = tpu.memref_slice %arg9[%dma_wait3A_208, %dma_wait3A_209] : memref<1x80xi32, #tpu.memory_space<vmem>> -> memref<1x80xi32, #tpu.memory_space<vmem>>
    %dma_wait3A_211 = tpu.memref_squeeze %dma_wait3A_210 : memref<1x80xi32, #tpu.memory_space<vmem>> -> memref<80xi32, #tpu.memory_space<vmem>>
    %dma_wait3A_212 = arith.constant 0 : i32
    %dma_wait3A_213 = arith.constant 0 : i32
    %dma_wait3A_214 = tpu.memref_slice %arg15[%dma_wait3A_212, %dma_wait3A_213] : memref<10240x128xf32, #tpu.memory_space<vmem_shared>> -> memref<10240x128xf32, #tpu.memory_space<vmem_shared>>
    tpu.wait_indirect_dma semaphore(%arg24 : memref<!tpu.dma_semaphore, #tpu.memory_space<semaphore_mem>>) src(%arg11 : memref<80x128xf32, #tpu.memory_space<vmem>>) dst(%dma_wait3A_214 : memref<10240x128xf32, #tpu.memory_space<vmem_shared>>)
    %dma_wait3A_215 = arith.constant 0 : i32
    %dma_wait3A_216 = arith.constant 0 : i32
    %dma_wait3A_217 = tpu.memref_slice %arg9[%dma_wait3A_215, %dma_wait3A_216] : memref<1x80xi32, #tpu.memory_space<vmem>> -> memref<1x80xi32, #tpu.memory_space<vmem>>
    %dma_wait3A_218 = tpu.memref_squeeze %dma_wait3A_217 : memref<1x80xi32, #tpu.memory_space<vmem>> -> memref<80xi32, #tpu.memory_space<vmem>>
    %dma_wait3A_219 = arith.constant 0 : i32
    %dma_wait3A_220 = arith.constant 0 : i32
    %dma_wait3A_221 = tpu.memref_slice %arg15[%dma_wait3A_219, %dma_wait3A_220] : memref<10240x128xf32, #tpu.memory_space<vmem_shared>> -> memref<10240x128xf32, #tpu.memory_space<vmem_shared>>
    tpu.wait_indirect_dma semaphore(%arg26 : memref<!tpu.dma_semaphore, #tpu.memory_space<semaphore_mem>>) src(%arg13 : memref<80x128xf32, #tpu.memory_space<vmem>>) dst(%dma_wait3A_221 : memref<10240x128xf32, #tpu.memory_space<vmem_shared>>)
    %dma_start3A_222 = arith.constant 124 : i32
    %dma_start3A_223 = arith.constant 0 : i32
    %dma_start3A_224 = arith.constant 0 : i32
    %dma_start3A_225 = tpu.memref_slice %arg5[%add3A, %dma_start3A_222, %dma_start3A_223, %dma_start3A_224] : memref<32x125x1x80xi32, #tpu.memory_space<hbm>> -> memref<1x1x1x80xi32, #tpu.memory_space<hbm>>
    %dma_start3A_226 = tpu.memref_squeeze %dma_start3A_225 : memref<1x1x1x80xi32, #tpu.memory_space<hbm>> -> memref<1x80xi32, #tpu.memory_space<hbm>>
    %dma_start3A_227 = arith.constant 0 : i32
    %dma_start3A_228 = arith.constant 0 : i32
    %dma_start3A_229 = tpu.memref_slice %arg5[%add3A, %dma_start3A_222, %dma_start3A_227, %dma_start3A_228] : memref<32x125x1x80xi32, #tpu.memory_space<hbm>> -> memref<1x1x1x80xi32, #tpu.memory_space<hbm>>
    %dma_start3A_230 = tpu.memref_squeeze %dma_start3A_229 : memref<1x1x1x80xi32, #tpu.memory_space<hbm>> -> memref<1x80xi32, #tpu.memory_space<hbm>>
    tpu.enqueue_dma source(%dma_start3A_230 : memref<1x80xi32, #tpu.memory_space<hbm>>) target(%arg9 : memref<1x80xi32, #tpu.memory_space<vmem>>) target_semaphore(%arg22 : memref<!tpu.dma_semaphore, #tpu.memory_space<semaphore_mem>>)
    %dma_wait3A_231 = arith.constant 124 : i32
    %dma_wait3A_232 = arith.constant 0 : i32
    %dma_wait3A_233 = arith.constant 0 : i32
    %dma_wait3A_234 = tpu.memref_slice %arg4[%add3A, %dma_wait3A_231, %dma_wait3A_232, %dma_wait3A_233] : memref<32x125x2x80xi32, #tpu.memory_space<hbm>> -> memref<1x1x2x80xi32, #tpu.memory_space<hbm>>
    %dma_wait3A_235 = tpu.memref_squeeze %dma_wait3A_234 : memref<1x1x2x80xi32, #tpu.memory_space<hbm>> -> memref<2x80xi32, #tpu.memory_space<hbm>>
    %dma_wait3A_236 = arith.constant 0 : i32
    %dma_wait3A_237 = arith.constant 0 : i32
    %dma_wait3A_238 = tpu.memref_slice %arg4[%add3A, %dma_wait3A_231, %dma_wait3A_236, %dma_wait3A_237] : memref<32x125x2x80xi32, #tpu.memory_space<hbm>> -> memref<1x1x2x80xi32, #tpu.memory_space<hbm>>
    %dma_wait3A_239 = tpu.memref_squeeze %dma_wait3A_238 : memref<1x1x2x80xi32, #tpu.memory_space<hbm>> -> memref<2x80xi32, #tpu.memory_space<hbm>>
    tpu.wait_dma2 semaphore(%arg20 : memref<!tpu.dma_semaphore, #tpu.memory_space<semaphore_mem>>) src(%dma_wait3A_239 : memref<2x80xi32, #tpu.memory_space<hbm>>) dst(%arg7 : memref<2x80xi32, #tpu.memory_space<vmem>>)
    %dma_start3A_240 = arith.constant 0 : i32
    %dma_start3A_241 = arith.constant 0 : i32
    %dma_start3A_242 = tpu.memref_slice %arg7[%dma_start3A_240, %dma_start3A_241] : memref<2x80xi32, #tpu.memory_space<vmem>> -> memref<1x80xi32, #tpu.memory_space<vmem>>
    %dma_start3A_243 = tpu.memref_squeeze %dma_start3A_242 : memref<1x80xi32, #tpu.memory_space<vmem>> -> memref<80xi32, #tpu.memory_space<vmem>>
    %dma_start3A_244 = arith.constant 0 : i32
    %dma_start3A_245 = arith.constant 0 : i32
    %dma_start3A_246 = tpu.memref_slice %arg2[%dma_start3A_244, %dma_start3A_245] : memref<10000x128xf32, #tpu.memory_space<hbm>> -> memref<10000x128xf32, #tpu.memory_space<hbm>>
    tpu.enqueue_indirect_dma source(%dma_start3A_246 : memref<10000x128xf32, #tpu.memory_space<hbm>>) target(%arg11 : memref<80x128xf32, #tpu.memory_space<vmem>>) offsets(%dma_start3A_243 : memref<80xi32, #tpu.memory_space<vmem>>) semaphore(%arg16 : memref<!tpu.dma_semaphore, #tpu.memory_space<semaphore_mem>>)
    %dma_start3A_247 = arith.constant 1 : i32
    %dma_start3A_248 = arith.constant 0 : i32
    %dma_start3A_249 = tpu.memref_slice %arg7[%dma_start3A_247, %dma_start3A_248] : memref<2x80xi32, #tpu.memory_space<vmem>> -> memref<1x80xi32, #tpu.memory_space<vmem>>
    %dma_start3A_250 = tpu.memref_squeeze %dma_start3A_249 : memref<1x80xi32, #tpu.memory_space<vmem>> -> memref<80xi32, #tpu.memory_space<vmem>>
    %dma_start3A_251 = arith.constant 0 : i32
    %dma_start3A_252 = arith.constant 0 : i32
    %dma_start3A_253 = tpu.memref_slice %arg3[%dma_start3A_251, %dma_start3A_252] : memref<200x128xf32, #tpu.memory_space<hbm>> -> memref<200x128xf32, #tpu.memory_space<hbm>>
    tpu.enqueue_indirect_dma source(%dma_start3A_253 : memref<200x128xf32, #tpu.memory_space<hbm>>) target(%arg13 : memref<80x128xf32, #tpu.memory_space<vmem>>) offsets(%dma_start3A_250 : memref<80xi32, #tpu.memory_space<vmem>>) semaphore(%arg18 : memref<!tpu.dma_semaphore, #tpu.memory_space<semaphore_mem>>)
    %dma_wait3A_254 = arith.constant 0 : i32
    %dma_wait3A_255 = arith.constant 0 : i32
    %dma_wait3A_256 = tpu.memref_slice %arg10[%dma_wait3A_254, %dma_wait3A_255] : memref<1x80xi32, #tpu.memory_space<vmem>> -> memref<1x80xi32, #tpu.memory_space<vmem>>
    %dma_wait3A_257 = tpu.memref_squeeze %dma_wait3A_256 : memref<1x80xi32, #tpu.memory_space<vmem>> -> memref<80xi32, #tpu.memory_space<vmem>>
    %dma_wait3A_258 = arith.constant 0 : i32
    %dma_wait3A_259 = arith.constant 0 : i32
    %dma_wait3A_260 = tpu.memref_slice %arg15[%dma_wait3A_258, %dma_wait3A_259] : memref<10240x128xf32, #tpu.memory_space<vmem_shared>> -> memref<10240x128xf32, #tpu.memory_space<vmem_shared>>
    tpu.wait_indirect_dma semaphore(%arg25 : memref<!tpu.dma_semaphore, #tpu.memory_space<semaphore_mem>>) src(%arg12 : memref<80x128xf32, #tpu.memory_space<vmem>>) dst(%dma_wait3A_260 : memref<10240x128xf32, #tpu.memory_space<vmem_shared>>)
    %dma_wait3A_261 = arith.constant 0 : i32
    %dma_wait3A_262 = arith.constant 0 : i32
    %dma_wait3A_263 = tpu.memref_slice %arg10[%dma_wait3A_261, %dma_wait3A_262] : memref<1x80xi32, #tpu.memory_space<vmem>> -> memref<1x80xi32, #tpu.memory_space<vmem>>
    %dma_wait3A_264 = tpu.memref_squeeze %dma_wait3A_263 : memref<1x80xi32, #tpu.memory_space<vmem>> -> memref<80xi32, #tpu.memory_space<vmem>>
    %dma_wait3A_265 = arith.constant 0 : i32
    %dma_wait3A_266 = arith.constant 0 : i32
    %dma_wait3A_267 = tpu.memref_slice %arg15[%dma_wait3A_265, %dma_wait3A_266] : memref<10240x128xf32, #tpu.memory_space<vmem_shared>> -> memref<10240x128xf32, #tpu.memory_space<vmem_shared>>
    tpu.wait_indirect_dma semaphore(%arg27 : memref<!tpu.dma_semaphore, #tpu.memory_space<semaphore_mem>>) src(%arg14 : memref<80x128xf32, #tpu.memory_space<vmem>>) dst(%dma_wait3A_267 : memref<10240x128xf32, #tpu.memory_space<vmem_shared>>)
    %dma_wait3A_268 = arith.constant 124 : i32
    %dma_wait3A_269 = arith.constant 0 : i32
    %dma_wait3A_270 = arith.constant 0 : i32
    %dma_wait3A_271 = tpu.memref_slice %arg5[%add3A, %dma_wait3A_268, %dma_wait3A_269, %dma_wait3A_270] : memref<32x125x1x80xi32, #tpu.memory_space<hbm>> -> memref<1x1x1x80xi32, #tpu.memory_space<hbm>>
    %dma_wait3A_272 = tpu.memref_squeeze %dma_wait3A_271 : memref<1x1x1x80xi32, #tpu.memory_space<hbm>> -> memref<1x80xi32, #tpu.memory_space<hbm>>
    %dma_wait3A_273 = arith.constant 0 : i32
    %dma_wait3A_274 = arith.constant 0 : i32
    %dma_wait3A_275 = tpu.memref_slice %arg5[%add3A, %dma_wait3A_268, %dma_wait3A_273, %dma_wait3A_274] : memref<32x125x1x80xi32, #tpu.memory_space<hbm>> -> memref<1x1x1x80xi32, #tpu.memory_space<hbm>>
    %dma_wait3A_276 = tpu.memref_squeeze %dma_wait3A_275 : memref<1x1x1x80xi32, #tpu.memory_space<hbm>> -> memref<1x80xi32, #tpu.memory_space<hbm>>
    tpu.wait_dma2 semaphore(%arg22 : memref<!tpu.dma_semaphore, #tpu.memory_space<semaphore_mem>>) src(%dma_wait3A_276 : memref<1x80xi32, #tpu.memory_space<hbm>>) dst(%arg9 : memref<1x80xi32, #tpu.memory_space<vmem>>)
    %dma_wait3A_277 = arith.constant 0 : i32
    %dma_wait3A_278 = arith.constant 0 : i32
    %dma_wait3A_279 = tpu.memref_slice %arg7[%dma_wait3A_277, %dma_wait3A_278] : memref<2x80xi32, #tpu.memory_space<vmem>> -> memref<1x80xi32, #tpu.memory_space<vmem>>
    %dma_wait3A_280 = tpu.memref_squeeze %dma_wait3A_279 : memref<1x80xi32, #tpu.memory_space<vmem>> -> memref<80xi32, #tpu.memory_space<vmem>>
    %dma_wait3A_281 = arith.constant 0 : i32
    %dma_wait3A_282 = arith.constant 0 : i32
    %dma_wait3A_283 = tpu.memref_slice %arg2[%dma_wait3A_281, %dma_wait3A_282] : memref<10000x128xf32, #tpu.memory_space<hbm>> -> memref<10000x128xf32, #tpu.memory_space<hbm>>
    tpu.wait_indirect_dma semaphore(%arg16 : memref<!tpu.dma_semaphore, #tpu.memory_space<semaphore_mem>>) src(%dma_wait3A_283 : memref<10000x128xf32, #tpu.memory_space<hbm>>) dst(%arg11 : memref<80x128xf32, #tpu.memory_space<vmem>>)
    %dma_wait3A_284 = arith.constant 1 : i32
    %dma_wait3A_285 = arith.constant 0 : i32
    %dma_wait3A_286 = tpu.memref_slice %arg7[%dma_wait3A_284, %dma_wait3A_285] : memref<2x80xi32, #tpu.memory_space<vmem>> -> memref<1x80xi32, #tpu.memory_space<vmem>>
    %dma_wait3A_287 = tpu.memref_squeeze %dma_wait3A_286 : memref<1x80xi32, #tpu.memory_space<vmem>> -> memref<80xi32, #tpu.memory_space<vmem>>
    %dma_wait3A_288 = arith.constant 0 : i32
    %dma_wait3A_289 = arith.constant 0 : i32
    %dma_wait3A_290 = tpu.memref_slice %arg3[%dma_wait3A_288, %dma_wait3A_289] : memref<200x128xf32, #tpu.memory_space<hbm>> -> memref<200x128xf32, #tpu.memory_space<hbm>>
    tpu.wait_indirect_dma semaphore(%arg18 : memref<!tpu.dma_semaphore, #tpu.memory_space<semaphore_mem>>) src(%dma_wait3A_290 : memref<200x128xf32, #tpu.memory_space<hbm>>) dst(%arg13 : memref<80x128xf32, #tpu.memory_space<vmem>>)
    %dma_start3A_291 = arith.constant 0 : i32
    %dma_start3A_292 = arith.constant 0 : i32
    %dma_start3A_293 = tpu.memref_slice %arg9[%dma_start3A_291, %dma_start3A_292] : memref<1x80xi32, #tpu.memory_space<vmem>> -> memref<1x80xi32, #tpu.memory_space<vmem>>
    %dma_start3A_294 = tpu.memref_squeeze %dma_start3A_293 : memref<1x80xi32, #tpu.memory_space<vmem>> -> memref<80xi32, #tpu.memory_space<vmem>>
    %dma_start3A_295 = arith.constant 0 : i32
    %dma_start3A_296 = arith.constant 0 : i32
    %dma_start3A_297 = tpu.memref_slice %arg15[%dma_start3A_295, %dma_start3A_296] : memref<10240x128xf32, #tpu.memory_space<vmem_shared>> -> memref<10240x128xf32, #tpu.memory_space<vmem_shared>>
    tpu.enqueue_indirect_dma source(%arg11 : memref<80x128xf32, #tpu.memory_space<vmem>>) target(%dma_start3A_297 : memref<10240x128xf32, #tpu.memory_space<vmem_shared>>) offsets(%dma_start3A_294 : memref<80xi32, #tpu.memory_space<vmem>>) semaphore(%arg24 : memref<!tpu.dma_semaphore, #tpu.memory_space<semaphore_mem>>) {add = true}
    %dma_start3A_298 = arith.constant 0 : i32
    %dma_start3A_299 = arith.constant 0 : i32
    %dma_start3A_300 = tpu.memref_slice %arg9[%dma_start3A_298, %dma_start3A_299] : memref<1x80xi32, #tpu.memory_space<vmem>> -> memref<1x80xi32, #tpu.memory_space<vmem>>
    %dma_start3A_301 = tpu.memref_squeeze %dma_start3A_300 : memref<1x80xi32, #tpu.memory_space<vmem>> -> memref<80xi32, #tpu.memory_space<vmem>>
    %dma_start3A_302 = arith.constant 0 : i32
    %dma_start3A_303 = arith.constant 0 : i32
    %dma_start3A_304 = tpu.memref_slice %arg15[%dma_start3A_302, %dma_start3A_303] : memref<10240x128xf32, #tpu.memory_space<vmem_shared>> -> memref<10240x128xf32, #tpu.memory_space<vmem_shared>>
    tpu.enqueue_indirect_dma source(%arg13 : memref<80x128xf32, #tpu.memory_space<vmem>>) target(%dma_start3A_304 : memref<10240x128xf32, #tpu.memory_space<vmem_shared>>) offsets(%dma_start3A_301 : memref<80xi32, #tpu.memory_space<vmem>>) semaphore(%arg26 : memref<!tpu.dma_semaphore, #tpu.memory_space<semaphore_mem>>) {add = true}
    %dma_wait3A_305 = arith.constant 0 : i32
    %dma_wait3A_306 = arith.constant 0 : i32
    %dma_wait3A_307 = tpu.memref_slice %arg9[%dma_wait3A_305, %dma_wait3A_306] : memref<1x80xi32, #tpu.memory_space<vmem>> -> memref<1x80xi32, #tpu.memory_space<vmem>>
    %dma_wait3A_308 = tpu.memref_squeeze %dma_wait3A_307 : memref<1x80xi32, #tpu.memory_space<vmem>> -> memref<80xi32, #tpu.memory_space<vmem>>
    %dma_wait3A_309 = arith.constant 0 : i32
    %dma_wait3A_310 = arith.constant 0 : i32
    %dma_wait3A_311 = tpu.memref_slice %arg15[%dma_wait3A_309, %dma_wait3A_310] : memref<10240x128xf32, #tpu.memory_space<vmem_shared>> -> memref<10240x128xf32, #tpu.memory_space<vmem_shared>>
    tpu.wait_indirect_dma semaphore(%arg24 : memref<!tpu.dma_semaphore, #tpu.memory_space<semaphore_mem>>) src(%arg11 : memref<80x128xf32, #tpu.memory_space<vmem>>) dst(%dma_wait3A_311 : memref<10240x128xf32, #tpu.memory_space<vmem_shared>>)
    %dma_wait3A_312 = arith.constant 0 : i32
    %dma_wait3A_313 = arith.constant 0 : i32
    %dma_wait3A_314 = tpu.memref_slice %arg9[%dma_wait3A_312, %dma_wait3A_313] : memref<1x80xi32, #tpu.memory_space<vmem>> -> memref<1x80xi32, #tpu.memory_space<vmem>>
    %dma_wait3A_315 = tpu.memref_squeeze %dma_wait3A_314 : memref<1x80xi32, #tpu.memory_space<vmem>> -> memref<80xi32, #tpu.memory_space<vmem>>
    %dma_wait3A_316 = arith.constant 0 : i32
    %dma_wait3A_317 = arith.constant 0 : i32
    %dma_wait3A_318 = tpu.memref_slice %arg15[%dma_wait3A_316, %dma_wait3A_317] : memref<10240x128xf32, #tpu.memory_space<vmem_shared>> -> memref<10240x128xf32, #tpu.memory_space<vmem_shared>>
    tpu.wait_indirect_dma semaphore(%arg26 : memref<!tpu.dma_semaphore, #tpu.memory_space<semaphore_mem>>) src(%arg13 : memref<80x128xf32, #tpu.memory_space<vmem>>) dst(%dma_wait3A_318 : memref<10240x128xf32, #tpu.memory_space<vmem_shared>>)
    %barrier3A_319 = arith.constant 0 : index
    tpu.barrier barrier_id(%barrier3A_319)
    %mul3A_320 = arith.constant 640 : i32
    %mul3A_321 = arith.muli %arg1, %mul3A_320 : i32
    %add3A_322 = arith.constant 0 : i32
    %add3A_323 = arith.addi %mul3A_321, %add3A_322 : i32
    "tpu.region"() ({
      %run_scoped3A = tpu.sem_alloc : memref<!tpu.dma_semaphore, #tpu.memory_space<semaphore_mem>>
      %dma_start3A_340 = arith.constant 0 : i32
      %dma_start3A_341 = tpu.memref_slice %arg6[%arg0, %add3A_323, %dma_start3A_340] : memref<2x10240x128xf32, #tpu.memory_space<hbm>> -> memref<1x128x128xf32, #tpu.memory_space<hbm>>
      %dma_start3A_342 = tpu.memref_squeeze %dma_start3A_341 : memref<1x128x128xf32, #tpu.memory_space<hbm>> -> memref<128x128xf32, #tpu.memory_space<hbm>>
      %dma_start3A_343 = arith.constant 0 : i32
      %dma_start3A_344 = tpu.memref_slice %arg15[%add3A_323, %dma_start3A_343] : memref<10240x128xf32, #tpu.memory_space<vmem_shared>> -> memref<128x128xf32, #tpu.memory_space<vmem_shared>>
      tpu.enqueue_dma source(%dma_start3A_344 : memref<128x128xf32, #tpu.memory_space<vmem_shared>>) target(%dma_start3A_342 : memref<128x128xf32, #tpu.memory_space<hbm>>) target_semaphore(%run_scoped3A : memref<!tpu.dma_semaphore, #tpu.memory_space<semaphore_mem>>)
      %dma_wait3A_345 = arith.constant 0 : i32
      %dma_wait3A_346 = tpu.memref_slice %arg6[%arg0, %add3A_323, %dma_wait3A_345] : memref<2x10240x128xf32, #tpu.memory_space<hbm>> -> memref<1x128x128xf32, #tpu.memory_space<hbm>>
      %dma_wait3A_347 = tpu.memref_squeeze %dma_wait3A_346 : memref<1x128x128xf32, #tpu.memory_space<hbm>> -> memref<128x128xf32, #tpu.memory_space<hbm>>
      %dma_wait3A_348 = arith.constant 0 : i32
      %dma_wait3A_349 = tpu.memref_slice %arg15[%add3A_323, %dma_wait3A_348] : memref<10240x128xf32, #tpu.memory_space<vmem_shared>> -> memref<128x128xf32, #tpu.memory_space<vmem_shared>>
      tpu.wait_dma2 semaphore(%run_scoped3A : memref<!tpu.dma_semaphore, #tpu.memory_space<semaphore_mem>>) src(%dma_wait3A_349 : memref<128x128xf32, #tpu.memory_space<vmem_shared>>) dst(%dma_wait3A_347 : memref<128x128xf32, #tpu.memory_space<hbm>>)
      tpu.yield
    }) : () -> ()
    %mul3A_324 = arith.constant 640 : i32
    %mul3A_325 = arith.muli %arg1, %mul3A_324 : i32
    %add3A_326 = arith.constant 128 : i32
    %add3A_327 = arith.addi %mul3A_325, %add3A_326 : i32
    "tpu.region"() ({
      %run_scoped3A = tpu.sem_alloc : memref<!tpu.dma_semaphore, #tpu.memory_space<semaphore_mem>>
      %dma_start3A_340 = arith.constant 0 : i32
      %dma_start3A_341 = tpu.memref_slice %arg6[%arg0, %add3A_327, %dma_start3A_340] : memref<2x10240x128xf32, #tpu.memory_space<hbm>> -> memref<1x128x128xf32, #tpu.memory_space<hbm>>
      %dma_start3A_342 = tpu.memref_squeeze %dma_start3A_341 : memref<1x128x128xf32, #tpu.memory_space<hbm>> -> memref<128x128xf32, #tpu.memory_space<hbm>>
      %dma_start3A_343 = arith.constant 0 : i32
      %dma_start3A_344 = tpu.memref_slice %arg15[%add3A_327, %dma_start3A_343] : memref<10240x128xf32, #tpu.memory_space<vmem_shared>> -> memref<128x128xf32, #tpu.memory_space<vmem_shared>>
      tpu.enqueue_dma source(%dma_start3A_344 : memref<128x128xf32, #tpu.memory_space<vmem_shared>>) target(%dma_start3A_342 : memref<128x128xf32, #tpu.memory_space<hbm>>) target_semaphore(%run_scoped3A : memref<!tpu.dma_semaphore, #tpu.memory_space<semaphore_mem>>)
      %dma_wait3A_345 = arith.constant 0 : i32
      %dma_wait3A_346 = tpu.memref_slice %arg6[%arg0, %add3A_327, %dma_wait3A_345] : memref<2x10240x128xf32, #tpu.memory_space<hbm>> -> memref<1x128x128xf32, #tpu.memory_space<hbm>>
      %dma_wait3A_347 = tpu.memref_squeeze %dma_wait3A_346 : memref<1x128x128xf32, #tpu.memory_space<hbm>> -> memref<128x128xf32, #tpu.memory_space<hbm>>
      %dma_wait3A_348 = arith.constant 0 : i32
      %dma_wait3A_349 = tpu.memref_slice %arg15[%add3A_327, %dma_wait3A_348] : memref<10240x128xf32, #tpu.memory_space<vmem_shared>> -> memref<128x128xf32, #tpu.memory_space<vmem_shared>>
      tpu.wait_dma2 semaphore(%run_scoped3A : memref<!tpu.dma_semaphore, #tpu.memory_space<semaphore_mem>>) src(%dma_wait3A_349 : memref<128x128xf32, #tpu.memory_space<vmem_shared>>) dst(%dma_wait3A_347 : memref<128x128xf32, #tpu.memory_space<hbm>>)
      tpu.yield
    }) : () -> ()
    %mul3A_328 = arith.constant 640 : i32
    %mul3A_329 = arith.muli %arg1, %mul3A_328 : i32
    %add3A_330 = arith.constant 256 : i32
    %add3A_331 = arith.addi %mul3A_329, %add3A_330 : i32
    "tpu.region"() ({
      %run_scoped3A = tpu.sem_alloc : memref<!tpu.dma_semaphore, #tpu.memory_space<semaphore_mem>>
      %dma_start3A_340 = arith.constant 0 : i32
      %dma_start3A_341 = tpu.memref_slice %arg6[%arg0, %add3A_331, %dma_start3A_340] : memref<2x10240x128xf32, #tpu.memory_space<hbm>> -> memref<1x128x128xf32, #tpu.memory_space<hbm>>
      %dma_start3A_342 = tpu.memref_squeeze %dma_start3A_341 : memref<1x128x128xf32, #tpu.memory_space<hbm>> -> memref<128x128xf32, #tpu.memory_space<hbm>>
      %dma_start3A_343 = arith.constant 0 : i32
      %dma_start3A_344 = tpu.memref_slice %arg15[%add3A_331, %dma_start3A_343] : memref<10240x128xf32, #tpu.memory_space<vmem_shared>> -> memref<128x128xf32, #tpu.memory_space<vmem_shared>>
      tpu.enqueue_dma source(%dma_start3A_344 : memref<128x128xf32, #tpu.memory_space<vmem_shared>>) target(%dma_start3A_342 : memref<128x128xf32, #tpu.memory_space<hbm>>) target_semaphore(%run_scoped3A : memref<!tpu.dma_semaphore, #tpu.memory_space<semaphore_mem>>)
      %dma_wait3A_345 = arith.constant 0 : i32
      %dma_wait3A_346 = tpu.memref_slice %arg6[%arg0, %add3A_331, %dma_wait3A_345] : memref<2x10240x128xf32, #tpu.memory_space<hbm>> -> memref<1x128x128xf32, #tpu.memory_space<hbm>>
      %dma_wait3A_347 = tpu.memref_squeeze %dma_wait3A_346 : memref<1x128x128xf32, #tpu.memory_space<hbm>> -> memref<128x128xf32, #tpu.memory_space<hbm>>
      %dma_wait3A_348 = arith.constant 0 : i32
      %dma_wait3A_349 = tpu.memref_slice %arg15[%add3A_331, %dma_wait3A_348] : memref<10240x128xf32, #tpu.memory_space<vmem_shared>> -> memref<128x128xf32, #tpu.memory_space<vmem_shared>>
      tpu.wait_dma2 semaphore(%run_scoped3A : memref<!tpu.dma_semaphore, #tpu.memory_space<semaphore_mem>>) src(%dma_wait3A_349 : memref<128x128xf32, #tpu.memory_space<vmem_shared>>) dst(%dma_wait3A_347 : memref<128x128xf32, #tpu.memory_space<hbm>>)
      tpu.yield
    }) : () -> ()
    %mul3A_332 = arith.constant 640 : i32
    %mul3A_333 = arith.muli %arg1, %mul3A_332 : i32
    %add3A_334 = arith.constant 384 : i32
    %add3A_335 = arith.addi %mul3A_333, %add3A_334 : i32
    "tpu.region"() ({
      %run_scoped3A = tpu.sem_alloc : memref<!tpu.dma_semaphore, #tpu.memory_space<semaphore_mem>>
      %dma_start3A_340 = arith.constant 0 : i32
      %dma_start3A_341 = tpu.memref_slice %arg6[%arg0, %add3A_335, %dma_start3A_340] : memref<2x10240x128xf32, #tpu.memory_space<hbm>> -> memref<1x128x128xf32, #tpu.memory_space<hbm>>
      %dma_start3A_342 = tpu.memref_squeeze %dma_start3A_341 : memref<1x128x128xf32, #tpu.memory_space<hbm>> -> memref<128x128xf32, #tpu.memory_space<hbm>>
      %dma_start3A_343 = arith.constant 0 : i32
      %dma_start3A_344 = tpu.memref_slice %arg15[%add3A_335, %dma_start3A_343] : memref<10240x128xf32, #tpu.memory_space<vmem_shared>> -> memref<128x128xf32, #tpu.memory_space<vmem_shared>>
      tpu.enqueue_dma source(%dma_start3A_344 : memref<128x128xf32, #tpu.memory_space<vmem_shared>>) target(%dma_start3A_342 : memref<128x128xf32, #tpu.memory_space<hbm>>) target_semaphore(%run_scoped3A : memref<!tpu.dma_semaphore, #tpu.memory_space<semaphore_mem>>)
      %dma_wait3A_345 = arith.constant 0 : i32
      %dma_wait3A_346 = tpu.memref_slice %arg6[%arg0, %add3A_335, %dma_wait3A_345] : memref<2x10240x128xf32, #tpu.memory_space<hbm>> -> memref<1x128x128xf32, #tpu.memory_space<hbm>>
      %dma_wait3A_347 = tpu.memref_squeeze %dma_wait3A_346 : memref<1x128x128xf32, #tpu.memory_space<hbm>> -> memref<128x128xf32, #tpu.memory_space<hbm>>
      %dma_wait3A_348 = arith.constant 0 : i32
      %dma_wait3A_349 = tpu.memref_slice %arg15[%add3A_335, %dma_wait3A_348] : memref<10240x128xf32, #tpu.memory_space<vmem_shared>> -> memref<128x128xf32, #tpu.memory_space<vmem_shared>>
      tpu.wait_dma2 semaphore(%run_scoped3A : memref<!tpu.dma_semaphore, #tpu.memory_space<semaphore_mem>>) src(%dma_wait3A_349 : memref<128x128xf32, #tpu.memory_space<vmem_shared>>) dst(%dma_wait3A_347 : memref<128x128xf32, #tpu.memory_space<hbm>>)
      tpu.yield
    }) : () -> ()
    %mul3A_336 = arith.constant 640 : i32
    %mul3A_337 = arith.muli %arg1, %mul3A_336 : i32
    %add3A_338 = arith.constant 512 : i32
    %add3A_339 = arith.addi %mul3A_337, %add3A_338 : i32
    "tpu.region"() ({
      %run_scoped3A = tpu.sem_alloc : memref<!tpu.dma_semaphore, #tpu.memory_space<semaphore_mem>>
      %dma_start3A_340 = arith.constant 0 : i32
      %dma_start3A_341 = tpu.memref_slice %arg6[%arg0, %add3A_339, %dma_start3A_340] : memref<2x10240x128xf32, #tpu.memory_space<hbm>> -> memref<1x128x128xf32, #tpu.memory_space<hbm>>
      %dma_start3A_342 = tpu.memref_squeeze %dma_start3A_341 : memref<1x128x128xf32, #tpu.memory_space<hbm>> -> memref<128x128xf32, #tpu.memory_space<hbm>>
      %dma_start3A_343 = arith.constant 0 : i32
      %dma_start3A_344 = tpu.memref_slice %arg15[%add3A_339, %dma_start3A_343] : memref<10240x128xf32, #tpu.memory_space<vmem_shared>> -> memref<128x128xf32, #tpu.memory_space<vmem_shared>>
      tpu.enqueue_dma source(%dma_start3A_344 : memref<128x128xf32, #tpu.memory_space<vmem_shared>>) target(%dma_start3A_342 : memref<128x128xf32, #tpu.memory_space<hbm>>) target_semaphore(%run_scoped3A : memref<!tpu.dma_semaphore, #tpu.memory_space<semaphore_mem>>)
      %dma_wait3A_345 = arith.constant 0 : i32
      %dma_wait3A_346 = tpu.memref_slice %arg6[%arg0, %add3A_339, %dma_wait3A_345] : memref<2x10240x128xf32, #tpu.memory_space<hbm>> -> memref<1x128x128xf32, #tpu.memory_space<hbm>>
      %dma_wait3A_347 = tpu.memref_squeeze %dma_wait3A_346 : memref<1x128x128xf32, #tpu.memory_space<hbm>> -> memref<128x128xf32, #tpu.memory_space<hbm>>
      %dma_wait3A_348 = arith.constant 0 : i32
      %dma_wait3A_349 = tpu.memref_slice %arg15[%add3A_339, %dma_wait3A_348] : memref<10240x128xf32, #tpu.memory_space<vmem_shared>> -> memref<128x128xf32, #tpu.memory_space<vmem_shared>>
      tpu.wait_dma2 semaphore(%run_scoped3A : memref<!tpu.dma_semaphore, #tpu.memory_space<semaphore_mem>>) src(%dma_wait3A_349 : memref<128x128xf32, #tpu.memory_space<vmem_shared>>) dst(%dma_wait3A_347 : memref<128x128xf32, #tpu.memory_space<hbm>>)
      tpu.yield
    }) : () -> ()
    return
  }
}

module attributes {stable_mosaic.version = 14 : i64} {
  func.func @_normalize_body(%arg0: i32, %arg1: memref<1000x128xf32, #tpu.memory_space<vmem>>, %arg2: memref<1000x128xf32, #tpu.memory_space<vmem>>) attributes {dimension_semantics = [#tpu.dimension_semantics<arbitrary>], iteration_bounds = array<i64: 10>, scalar_prefetch = 0 : i64, scratch_operands = 0 : i64, tpu.core_type = #tpu.core_type<tc>, window_params = [{transform_indices = @transform_0, window_bounds = array<i64: 1000, 128>}, {transform_indices = @transform_1, window_bounds = array<i64: 1000, 128>}]} {
    %get3A = arith.constant 0 : index
    %get3A_0 = arith.constant 0 : index
    %get3A_1 = vector.load %arg1[%get3A, %get3A_0] : memref<1000x128xf32, #tpu.memory_space<vmem>>, vector<1000x128xf32>
    %mul3A = arith.mulf %get3A_1, %get3A_1 : vector<1000x128xf32>
    %reduce_sum3A = arith.constant dense<0.000000e+00> : vector<1000xf32>
    %reduce_sum3A_2 = vector.multi_reduction <add>, %mul3A, %reduce_sum3A [1] : vector<1000x128xf32> to vector<1000xf32>
    %broadcast_in_dim3A = vector.shape_cast %reduce_sum3A_2 : vector<1000xf32> to vector<1000x1xf32>
    %sqrt3A = math.sqrt %broadcast_in_dim3A : vector<1000x1xf32>
    %max3A = arith.constant 9.99999996E-13 : f32
    %max3A_3 = vector.broadcast %max3A : f32 to vector<1000x1xf32>
    %max3A_4 = arith.maximumf %sqrt3A, %max3A_3 : vector<1000x1xf32>
    %div3A = vector.broadcast %max3A_4 : vector<1000x1xf32> to vector<1000x128xf32>
    %div3A_5 = arith.divf %get3A_1, %div3A : vector<1000x128xf32>
    %swap3A = arith.constant 0 : index
    %swap3A_6 = arith.constant 0 : index
    %swap3A_7 = vector.load %arg2[%swap3A, %swap3A_6] : memref<1000x128xf32, #tpu.memory_space<vmem>>, vector<1000x128xf32>
    tpu.vector_store %arg2[%swap3A, %swap3A_6], %div3A_5 {strides = array<i32>} : memref<1000x128xf32, #tpu.memory_space<vmem>>, vector<1000x128xf32>,
    return
  }
  func.func @transform_0(%arg0: i32) -> (i32, i32) {
    %c0_i32 = arith.constant 0 : i32
    %c0_i32_0 = arith.constant 0 : i32
    return %arg0, %c0_i32 : i32, i32
  }
  func.func @transform_1(%arg0: i32) -> (i32, i32) {
    %c0_i32 = arith.constant 0 : i32
    %c0_i32_0 = arith.constant 0 : i32
    return %arg0, %c0_i32 : i32, i32
  }
}

module attributes {stable_mosaic.version = 14 : i64} {
  func.func @_deg_body(%arg0: i32, %arg1: memref<8000x1xi32, #tpu.memory_space<vmem>>, %arg2: memref<128x128xf32, #tpu.memory_space<vmem>>) attributes {dimension_semantics = [#tpu.dimension_semantics<arbitrary>], iteration_bounds = array<i64: 40>, scalar_prefetch = 0 : i64, scratch_operands = 0 : i64, tpu.core_type = #tpu.core_type<tc>, window_params = [{transform_indices = @transform_0, window_bounds = array<i64: 8000, 1>}, {pipeline_mode = #tpu.pipeline_mode<synchronous>, transform_indices = @transform_1, window_bounds = array<i64: 128, 128>}]} {
    %get3A = arith.constant 0 : index
    %get3A_0 = arith.constant 0 : index
    %get3A_1 = vector.load %arg1[%get3A, %get3A_0] : memref<8000x1xi32, #tpu.memory_space<vmem>>, vector<8000x1xi32>
    %iota3A = tpu.iota {dimensions = array<i32: 1>} : vector<8000x128xi32>
    %shift_right_logical3A = arith.constant 7 : i32
    %shift_right_logical3A_2 = vector.broadcast %shift_right_logical3A : i32 to vector<8000x1xi32>
    %shift_right_logical3A_3 = arith.shrui %get3A_1, %shift_right_logical3A_2 : vector<8000x1xi32>
    %eq3A = vector.broadcast %shift_right_logical3A_3 : vector<8000x1xi32> to vector<8000x128xi32>
    %eq3A_4 = arith.cmpi eq, %eq3A, %iota3A : vector<8000x128xi32>
    %convert_element_type3A = arith.extui %eq3A_4 : vector<8000x128xi1> to vector<8000x128xi32>
    %convert_element_type3A_5 = arith.sitofp %convert_element_type3A : vector<8000x128xi32> to vector<8000x128xf32>
    %convert_element_type3A_6 = arith.truncf %convert_element_type3A_5 : vector<8000x128xf32> to vector<8000x128xbf16>
    %and3A = arith.constant 127 : i32
    %and3A_7 = vector.broadcast %and3A : i32 to vector<8000x1xi32>
    %and3A_8 = arith.andi %get3A_1, %and3A_7 : vector<8000x1xi32>
    %eq3A_9 = vector.broadcast %and3A_8 : vector<8000x1xi32> to vector<8000x128xi32>
    %eq3A_10 = arith.cmpi eq, %eq3A_9, %iota3A : vector<8000x128xi32>
    %convert_element_type3A_11 = arith.extui %eq3A_10 : vector<8000x128xi1> to vector<8000x128xi32>
    %convert_element_type3A_12 = arith.sitofp %convert_element_type3A_11 : vector<8000x128xi32> to vector<8000x128xf32>
    %convert_element_type3A_13 = arith.truncf %convert_element_type3A_12 : vector<8000x128xf32> to vector<8000x128xbf16>
    %dot_general3A = arith.constant dense<0.000000e+00> : vector<128x128xf32>
    %dot_general3A_14 = tpu.matmul %convert_element_type3A_6, %convert_element_type3A_13, %dot_general3A {dimension_numbers = #tpu.dot_dimension_numbers<[0], [0], [1], [1], [0, 1, 1, 1], [], []>, transpose_lhs_hint = false} : vector<8000x128xbf16>, vector<8000x128xbf16>, vector<128x128xf32> -> vector<128x128xf32>
    %eq3A_15 = arith.constant 0 : i32
    %eq3A_16 = arith.cmpi eq, %arg0, %eq3A_15 : i32
    %convert_element_type3A_17 = arith.extui %eq3A_16 : i1 to i32
    %cond3A = arith.constant 0 : i32
    %cond3A_18 = arith.cmpi ne, %convert_element_type3A_17, %cond3A : i32
    scf.if %cond3A_18 {
      %broadcast_in_dim3A = arith.constant 0.000000e+00 : f32
      %broadcast_in_dim3A_24 = vector.broadcast %broadcast_in_dim3A : f32 to vector<128x128xf32>
      %swap3A_25 = arith.constant 0 : index
      %swap3A_26 = arith.constant 0 : index
      %swap3A_27 = vector.load %arg2[%swap3A_25, %swap3A_26] : memref<128x128xf32, #tpu.memory_space<vmem>>, vector<128x128xf32>
      tpu.vector_store %arg2[%swap3A_25, %swap3A_26], %broadcast_in_dim3A_24 {strides = array<i32>} : memref<128x128xf32, #tpu.memory_space<vmem>>, vector<128x128xf32>,
    } else {
    }
    %get3A_19 = arith.constant 0 : index
    %get3A_20 = arith.constant 0 : index
    %get3A_21 = vector.load %arg2[%get3A_19, %get3A_20] : memref<128x128xf32, #tpu.memory_space<vmem>>, vector<128x128xf32>
    %add3A = arith.addf %get3A_21, %dot_general3A_14 : vector<128x128xf32>
    %swap3A = arith.constant 0 : index
    %swap3A_22 = arith.constant 0 : index
    %swap3A_23 = vector.load %arg2[%swap3A, %swap3A_22] : memref<128x128xf32, #tpu.memory_space<vmem>>, vector<128x128xf32>
    tpu.vector_store %arg2[%swap3A, %swap3A_22], %add3A {strides = array<i32>} : memref<128x128xf32, #tpu.memory_space<vmem>>, vector<128x128xf32>,
    return
  }
  func.func @transform_0(%arg0: i32) -> (i32, i32) {
    %c0_i32 = arith.constant 0 : i32
    %c0_i32_0 = arith.constant 0 : i32
    return %arg0, %c0_i32 : i32, i32
  }
  func.func @transform_1(%arg0: i32) -> (i32, i32) {
    %c0_i32 = arith.constant 0 : i32
    %c0_i32_0 = arith.constant 0 : i32
    %c0_i32_1 = arith.constant 0 : i32
    return %c0_i32, %c0_i32_0 : i32, i32
  }
}

module attributes {stable_mosaic.version = 14 : i64} {
  func.func @_tail_body(%arg0: i32, %arg1: memref<2x1000x128xf32, #tpu.memory_space<vmem>>, %arg2: memref<1000x1xf32, #tpu.memory_space<vmem>>, %arg3: memref<1000x128xf32, #tpu.memory_space<vmem>>, %arg4: memref<128x128xf32, #tpu.memory_space<vmem>>, %arg5: memref<128x128xf32, #tpu.memory_space<vmem>>, %arg6: memref<128x128xf32, #tpu.memory_space<vmem>>, %arg7: memref<1x128xf32, #tpu.memory_space<vmem>>, %arg8: memref<1000x128xf32, #tpu.memory_space<vmem>>) attributes {dimension_semantics = [#tpu.dimension_semantics<arbitrary>], iteration_bounds = array<i64: 10>, scalar_prefetch = 0 : i64, scratch_operands = 0 : i64, tpu.core_type = #tpu.core_type<tc>, window_params = [{transform_indices = @transform_0, window_bounds = array<i64: 2, 1000, 128>}, {transform_indices = @transform_1, window_bounds = array<i64: 1000, 1>}, {transform_indices = @transform_2, window_bounds = array<i64: 1000, 128>}, {pipeline_mode = #tpu.pipeline_mode<synchronous>, transform_indices = @transform_3, window_bounds = array<i64: 128, 128>}, {pipeline_mode = #tpu.pipeline_mode<synchronous>, transform_indices = @transform_4, window_bounds = array<i64: 128, 128>}, {pipeline_mode = #tpu.pipeline_mode<synchronous>, transform_indices = @transform_5, window_bounds = array<i64: 128, 128>}, {pipeline_mode = #tpu.pipeline_mode<synchronous>, transform_indices = @transform_6, window_bounds = array<i64: 1, 128>}, {transform_indices = @transform_7, window_bounds = array<i64: 1000, 128>}]} {
    %get3A = arith.constant 0 : index
    %get3A_0 = arith.constant 0 : index
    %get3A_1 = arith.constant 0 : index
    %get3A_2 = vector.load %arg1[%get3A, %get3A_0, %get3A_1] : memref<2x1000x128xf32, #tpu.memory_space<vmem>>, vector<1x1000x128xf32>
    %get3A_3 = vector.shape_cast %get3A_2 : vector<1x1000x128xf32> to vector<1000x128xf32>
    %get3A_4 = arith.constant 1 : index
    %get3A_5 = arith.constant 0 : index
    %get3A_6 = arith.constant 0 : index
    %get3A_7 = vector.load %arg1[%get3A_4, %get3A_5, %get3A_6] : memref<2x1000x128xf32, #tpu.memory_space<vmem>>, vector<1x1000x128xf32>
    %get3A_8 = vector.shape_cast %get3A_7 : vector<1x1000x128xf32> to vector<1000x128xf32>
    %add3A = arith.addf %get3A_3, %get3A_8 : vector<1000x128xf32>
    %get3A_9 = arith.constant 0 : index
    %get3A_10 = arith.constant 0 : index
    %get3A_11 = vector.load %arg2[%get3A_9, %get3A_10] : memref<1000x1xf32, #tpu.memory_space<vmem>>, vector<1000x1xf32>
    %squeeze3A = vector.shape_cast %get3A_11 : vector<1000x1xf32> to vector<1000xf32>
    %get3A_12 = arith.constant 0 : index
    %get3A_13 = arith.constant 0 : index
    %get3A_14 = vector.load %arg3[%get3A_12, %get3A_13] : memref<1000x128xf32, #tpu.memory_space<vmem>>, vector<1000x128xf32>
    %get3A_15 = arith.constant 0 : index
    %get3A_16 = arith.constant 0 : index
    %get3A_17 = vector.load %arg4[%get3A_15, %get3A_16] : memref<128x128xf32, #tpu.memory_space<vmem>>, vector<128x128xf32>
    %dot_general3A = arith.constant dense<0.000000e+00> : vector<1000x128xf32>
    %dot_general3A_18 = tpu.matmul %add3A, %get3A_17, %dot_general3A {dimension_numbers = #tpu.dot_dimension_numbers<[1], [0], [0], [1], [0, 0, 1, 1], [], []>, transpose_lhs_hint = false} : vector<1000x128xf32>, vector<128x128xf32>, vector<1000x128xf32> -> vector<1000x128xf32>
    %max3A = arith.constant 1.000000e+00 : f32
    %max3A_19 = vector.broadcast %max3A : f32 to vector<1000xf32>
    %max3A_20 = arith.maximumf %squeeze3A, %max3A_19 : vector<1000xf32>
    %broadcast_in_dim3A = vector.shape_cast %max3A_20 : vector<1000xf32> to vector<1000x1xf32>
    %div3A = vector.broadcast %broadcast_in_dim3A : vector<1000x1xf32> to vector<1000x128xf32>
    %div3A_21 = arith.divf %dot_general3A_18, %div3A : vector<1000x128xf32>
    %get3A_22 = arith.constant 0 : index
    %get3A_23 = arith.constant 0 : index
    %get3A_24 = vector.load %arg5[%get3A_22, %get3A_23] : memref<128x128xf32, #tpu.memory_space<vmem>>, vector<128x128xf32>
    %dot_general3A_25 = arith.constant dense<0.000000e+00> : vector<1000x128xf32>
    %dot_general3A_26 = tpu.matmul %get3A_14, %get3A_24, %dot_general3A_25 {dimension_numbers = #tpu.dot_dimension_numbers<[1], [0], [0], [1], [0, 0, 1, 1], [], []>, transpose_lhs_hint = false} : vector<1000x128xf32>, vector<128x128xf32>, vector<1000x128xf32> -> vector<1000x128xf32>
    %add3A_27 = arith.addf %div3A_21, %dot_general3A_26 : vector<1000x128xf32>
    %ge3A = arith.constant 0.000000e+00 : f32
    %ge3A_28 = vector.broadcast %ge3A : f32 to vector<1000x128xf32>
    %ge3A_29 = arith.cmpf oge, %add3A_27, %ge3A_28 : vector<1000x128xf32>
    %mul3A = arith.constant 0.229166672 : f32
    %mul3A_30 = vector.broadcast %mul3A : f32 to vector<1000x128xf32>
    %mul3A_31 = arith.mulf %mul3A_30, %add3A_27 : vector<1000x128xf32>
    %select_n3A = arith.select %ge3A_29, %add3A_27, %mul3A_31 : vector<1000x128xi1>, vector<1000x128xf32>
    %mul3A_32 = arith.mulf %select_n3A, %select_n3A : vector<1000x128xf32>
    %reduce_sum3A = arith.constant dense<0.000000e+00> : vector<1000xf32>
    %reduce_sum3A_33 = vector.multi_reduction <add>, %mul3A_32, %reduce_sum3A [1] : vector<1000x128xf32> to vector<1000xf32>
    %broadcast_in_dim3A_34 = vector.shape_cast %reduce_sum3A_33 : vector<1000xf32> to vector<1000x1xf32>
    %sqrt3A = math.sqrt %broadcast_in_dim3A_34 : vector<1000x1xf32>
    %max3A_35 = arith.constant 9.99999996E-13 : f32
    %max3A_36 = vector.broadcast %max3A_35 : f32 to vector<1000x1xf32>
    %max3A_37 = arith.maximumf %sqrt3A, %max3A_36 : vector<1000x1xf32>
    %div3A_38 = vector.broadcast %max3A_37 : vector<1000x1xf32> to vector<1000x128xf32>
    %div3A_39 = arith.divf %select_n3A, %div3A_38 : vector<1000x128xf32>
    %get3A_40 = arith.constant 0 : index
    %get3A_41 = arith.constant 0 : index
    %get3A_42 = vector.load %arg6[%get3A_40, %get3A_41] : memref<128x128xf32, #tpu.memory_space<vmem>>, vector<128x128xf32>
    %dot_general3A_43 = arith.constant dense<0.000000e+00> : vector<1000x128xf32>
    %dot_general3A_44 = tpu.matmul %div3A_39, %get3A_42, %dot_general3A_43 {dimension_numbers = #tpu.dot_dimension_numbers<[1], [0], [0], [1], [0, 0, 1, 1], [], []>, transpose_lhs_hint = false} : vector<1000x128xf32>, vector<128x128xf32>, vector<1000x128xf32> -> vector<1000x128xf32>
    %get3A_45 = arith.constant 0 : index
    %get3A_46 = arith.constant 0 : index
    %get3A_47 = vector.load %arg7[%get3A_45, %get3A_46] : memref<1x128xf32, #tpu.memory_space<vmem>>, vector<1x128xf32>
    %add3A_48 = vector.broadcast %get3A_47 : vector<1x128xf32> to vector<1000x128xf32>
    %add3A_49 = arith.addf %dot_general3A_44, %add3A_48 : vector<1000x128xf32>
    %logistic3A = arith.negf %add3A_49 : vector<1000x128xf32>
    %logistic3A_50 = math.exp %logistic3A : vector<1000x128xf32>
    %logistic3A_51 = arith.constant 1.000000e+00 : f32
    %logistic3A_52 = vector.broadcast %logistic3A_51 : f32 to vector<1000x128xf32>
    %logistic3A_53 = arith.addf %logistic3A_52, %logistic3A_50 : vector<1000x128xf32>
    %logistic3A_54 = arith.divf %logistic3A_52, %logistic3A_53 : vector<1000x128xf32>
    %mul3A_55 = arith.mulf %logistic3A_54, %div3A_39 : vector<1000x128xf32>
    %sub3A = arith.constant 1.000000e+00 : f32
    %sub3A_56 = vector.broadcast %sub3A : f32 to vector<1000x128xf32>
    %sub3A_57 = arith.subf %sub3A_56, %logistic3A_54 : vector<1000x128xf32>
    %mul3A_58 = arith.mulf %sub3A_57, %get3A_14 : vector<1000x128xf32>
    %add3A_59 = arith.addf %mul3A_55, %mul3A_58 : vector<1000x128xf32>
    %swap3A = arith.constant 0 : index
    %swap3A_60 = arith.constant 0 : index
    %swap3A_61 = vector.load %arg8[%swap3A, %swap3A_60] : memref<1000x128xf32, #tpu.memory_space<vmem>>, vector<1000x128xf32>
    tpu.vector_store %arg8[%swap3A, %swap3A_60], %add3A_59 {strides = array<i32>} : memref<1000x128xf32, #tpu.memory_space<vmem>>, vector<1000x128xf32>,
    return
  }
  func.func @transform_0(%arg0: i32) -> (i32, i32, i32) {
    %c0_i32 = arith.constant 0 : i32
    %c0_i32_0 = arith.constant 0 : i32
    %c0_i32_1 = arith.constant 0 : i32
    return %c0_i32, %arg0, %c0_i32_0 : i32, i32, i32
  }
  func.func @transform_1(%arg0: i32) -> (i32, i32) {
    %c0_i32 = arith.constant 0 : i32
    %c0_i32_0 = arith.constant 0 : i32
    return %arg0, %c0_i32 : i32, i32
  }
  func.func @transform_2(%arg0: i32) -> (i32, i32) {
    %c0_i32 = arith.constant 0 : i32
    %c0_i32_0 = arith.constant 0 : i32
    return %arg0, %c0_i32 : i32, i32
  }
  func.func @transform_3(%arg0: i32) -> (i32, i32) {
    %c0_i32 = arith.constant 0 : i32
    %c0_i32_0 = arith.constant 0 : i32
    %c0_i32_1 = arith.constant 0 : i32
    return %c0_i32, %c0_i32_0 : i32, i32
  }
  func.func @transform_4(%arg0: i32) -> (i32, i32) {
    %c0_i32 = arith.constant 0 : i32
    %c0_i32_0 = arith.constant 0 : i32
    %c0_i32_1 = arith.constant 0 : i32
    return %c0_i32, %c0_i32_0 : i32, i32
  }
  func.func @transform_5(%arg0: i32) -> (i32, i32) {
    %c0_i32 = arith.constant 0 : i32
    %c0_i32_0 = arith.constant 0 : i32
    %c0_i32_1 = arith.constant 0 : i32
    return %c0_i32, %c0_i32_0 : i32, i32
  }
  func.func @transform_6(%arg0: i32) -> (i32, i32) {
    %c0_i32 = arith.constant 0 : i32
    %c0_i32_0 = arith.constant 0 : i32
    %c0_i32_1 = arith.constant 0 : i32
    return %c0_i32, %c0_i32_0 : i32, i32
  }
  func.func @transform_7(%arg0: i32) -> (i32, i32) {
    %c0_i32 = arith.constant 0 : i32
    %c0_i32_0 = arith.constant 0 : i32
    return %arg0, %c0_i32 : i32, i32
  }
}

</mosaic_0001>

<sc_bundles>
// kernel: kernel.6.cloned.1.call-start
scs
__scs_entry_jumppad:
0x0: {  	(pc) =	sbr.rel $0x88, $3  }
0x1: {  	(tag) =	ssettag $0x0;
	lr =	simm.s32 $0x1  }
0x2: {  	[smem:$0x3F99] =	sst lr;
	_ =	strace $0xD0000000  }
0x3: {  	_ = 	snop  }
0x4: {  	_ = 	snop  }
0x5: {  	_ = 	snop  }
0x6: {  	_ = 	snop  }
0x7: {  	_ = 	snop  }
__scs_overlays_trampoline_lowered:
0x8: {  	[smem:$0x3FA8] =	sst s0  }
0x9: {  	[smem:$0x3FA9] =	sst s1  }
0xa: {  	[smem:$0x3FAA] =	sst s2  }
0xb: {  	[smem:$0x3FAB] =	sst s3  }
0xc: {  	[smem:$0x3FAC] =	sst s4  }
0xd: {  	[smem:$0x3FAD] =	sst s5  }
0xe: {  	[smem:$0x3FAE] =	sst s6  }
0xf: {  	[smem:$0x3FAF] =	sst s7  }
0x10: {  	[smem:$0x3FB0] =	sst s8  }
0x11: {  	[smem:$0x3FB1] =	sst s9;
	s0 =	simm.s32 @!p0 $0x0  }
0x12: {  	s1 =	sld [smem:$0x3F97];
	s0 =	simm.s32 @p0 $0x1  }
0x13: {  	[smem:$0x3FB2] =	sst s0;
	s0 =	simm.s32 @!p1 $0x0  }
0x14: {  	s2 =	sld [smem:$0x3F96];
	s0 =	simm.s32 @p1 $0x1  }
0x15: {  	[smem:$0x3FB3] =	sst s0;
	s0 =	simm.s32 @!p2 $0x0  }
0x16: {  	s3 =	sld [smem:$0x3FDB];
	s0 =	simm.s32 @p2 $0x1  }
0x17: {  	s4 =	simm.s32 $0x1BF5;
	[smem:$0x3FB5] =	sst s0  }
0x18: {  	s0 =	sld [smem:$0x3F98];
	_ =	swait.ge [sflag:s4], $0x0  }
0x19: {  	s7 =	sld [smem:$0x3F99]  }
0x1a: {  	s8 =	sadd.s32 $0xFFFFE003, lr  }
0x1b: {  	s9 =	sadd.s32 $0xFFFFFEF7, lr;
	s5 =	simm.s32 $0xFFFFFFFF;
	p2 =	slt.u32 s8, $0xFFFFF086  }
0x1c: {  	p1 =	slt.u32 s9, $0xF7A;
	s5 =	simm.s32 @!p2 $0x0  }
0x1d: {  	s5 =	simm.s32 @p1 $0x1;
	p0 =	seq.s32 s7, s2  }
0x1e: {  	s7 =	smul.u32 @!p0 $0xF7A, s2;
	p2 =	seq.s32 @!p0 s5, $0x0  }
0x1f: {  	s9 =	smul.u32 $0xF7A, s1;
	s8 =	simm.s32 @!p0 $0x1BF5;
	p2 =	por !p2, p0  }
0x20: {  	[sflag:s8] =	ssyncset.s32 @!p0 $0xFFFFF086;
	s6 =	sadd.s32 @!p0 s3, s7;
	s7 =	simm.s32 @!p0 $0x108  }
0x21: {  	s3 =	sadd.s32 s3, s9;
	s6 =	sadd.s32 @!p0 $0x88, s6;
	s7 =	simm.s32 @p2 $0x1082  }
0x22: {  	[simem:s7], [sflag:s8] =	dma.local @!p0 [hbm:s6], $0xF7A  }
0x23: {  	s9 =	sor.u32 $0xD0000000, s2;
	s6 =	simm.s32 $0x108;
	_ =	swait.ge @!p0 [sflag:s8], $0x0  }
0x24: {  	s3 =	sadd.s32 $0x88, s3;
	s6 =	simm.s32 @!p1 $0x1082;
	[sflag:s4] =	ssyncset.s32 $0xFFFFF086  }
0x25: {  	[simem:s6], [sflag:s4] =	dma.local [hbm:s3], $0xF7A  }
0x26: {  	[smem:$0x3F99] =	sst s1;
	(tag) =	ssettag s2;
	_ =	strace s9  }
0x27: {  	s1 =	sld [smem:$0x3FA9]  }
0x28: {  	s2 =	sld [smem:$0x3FAA]  }
0x29: {  	s4 =	sld [smem:$0x3FAC]  }
0x2a: {  	p0 =	seq.s32 s5, $0x0;
	s5 =	sld [smem:$0x3FAD]  }
0x2b: {  	s6 =	sld [smem:$0x3FAE]  }
0x2c: {  	s7 =	sld [smem:$0x3FAF]  }
0x2d: {  	s3 =	simm.s32 $0x108;
	s8 =	sld [smem:$0x3FB0]  }
0x2e: {  	s3 =	simm.s32 @!p0 $0x1082;
	s9 =	sld [smem:$0x3FB1]  }
0x2f: {  	lr =	sadd.s32 s0, s3;
	s0 =	sld [smem:$0x3FA8]  }
0x30: {  	s3 =	sld [smem:$0x3FAB]  }
0x31: {  	[smem:$0x3FB4] =	sst s10  }
0x32: {  	s10 =	sld [smem:$0x3FB2];
	_ =	sdelay $0x3  }
0x33: {  	p0 =	seq.s32 s10, $0x1;
	s10 =	sld [smem:$0x3FB4];
	_ =	sdelay $0x3  }
0x34: {  	[smem:$0x3FB4] =	sst s10  }
0x35: {  	s10 =	sld [smem:$0x3FB3];
	_ =	sdelay $0x3  }
0x36: {  	p1 =	seq.s32 s10, $0x1;
	s10 =	sld [smem:$0x3FB4];
	_ =	sdelay $0x3  }
0x37: {  	[smem:$0x3FB4] =	sst s10  }
0x38: {  	s10 =	sld [smem:$0x3FB5]  }
0x39: {  	_ = 	snop;
	(pc) =	sbr.ind lr, $3  }
0x3a: {  	_ = 	snop  }
0x3b: {  	_ = 	snop  }
0x3c: {  	p2 =	seq.s32 s10, $0x1;
	s10 =	sld [smem:$0x3FB4]  }
0x3d: {  	_ =	shalt  }
0x3e: {  	_ =	shalt  }
0x3f: {  	_ =	shalt  }
0x40: {  	_ =	shalt  }
0x41: {  	_ =	shalt  }
0x42: {  	_ =	shalt  }
0x43: {  	_ =	shalt  }
0x44: {  	_ =	shalt  }
0x45: {  	_ =	shalt  }
0x46: {  	_ =	shalt  }
0x47: {  	_ =	shalt  }
0x48: {  	_ =	shalt  }
0x49: {  	_ =	shalt  }
0x4a: {  	_ =	shalt  }
0x4b: {  	_ =	shalt  }
0x4c: {  	_ =	shalt  }
0x4d: {  	_ =	shalt  }
0x4e: {  	_ =	shalt  }
0x4f: {  	_ =	shalt  }
0x50: {  	_ =	shalt  }
0x51: {  	_ =	shalt  }
0x52: {  	_ =	shalt  }
0x53: {  	_ =	shalt  }
0x54: {  	_ =	shalt  }
0x55: {  	_ =	shalt  }
0x56: {  	_ =	shalt  }
0x57: {  	_ =	shalt  }
0x58: {  	_ =	shalt  }
0x59: {  	_ =	shalt  }
0x5a: {  	_ =	shalt  }
0x5b: {  	_ =	shalt  }
0x5c: {  	_ =	shalt  }
0x5d: {  	_ =	shalt  }
0x5e: {  	_ =	shalt  }
0x5f: {  	_ =	shalt  }
0x60: {  	_ =	shalt  }
0x61: {  	_ =	shalt  }
0x62: {  	_ =	shalt  }
0x63: {  	_ =	shalt  }
0x64: {  	_ =	shalt  }
0x65: {  	_ =	shalt  }
0x66: {  	_ =	shalt  }
0x67: {  	_ =	shalt  }
0x68: {  	_ =	shalt  }
0x69: {  	_ =	shalt  }
0x6a: {  	_ =	shalt  }
0x6b: {  	_ =	shalt  }
0x6c: {  	_ =	shalt  }
0x6d: {  	_ =	shalt  }
0x6e: {  	_ =	shalt  }
0x6f: {  	_ =	shalt  }
0x70: {  	_ =	shalt  }
0x71: {  	_ =	shalt  }
0x72: {  	_ =	shalt  }
0x73: {  	_ =	shalt  }
0x74: {  	_ =	shalt  }
0x75: {  	_ =	shalt  }
0x76: {  	_ =	shalt  }
0x77: {  	_ =	shalt  }
0x78: {  	_ =	shalt  }
0x79: {  	_ =	shalt  }
0x7a: {  	_ =	shalt  }
0x7b: {  	_ =	shalt  }
0x7c: {  	_ =	shalt  }
0x7d: {  	_ =	shalt  }
0x7e: {  	_ =	shalt  }
0x7f: {  	_ =	shalt  }
0x80: {  	_ =	shalt  }
0x81: {  	_ =	shalt  }
0x82: {  	_ =	shalt  }
0x83: {  	_ =	shalt  }
0x84: {  	_ =	shalt  }
0x85: {  	_ =	shalt  }
0x86: {  	_ =	shalt  }
0x87: {  	_ =	shalt  }
.Lfunc_end0:
.L_simem_size_0:
called_computation_lowered:
.L_overlay_start_0:
0x88: {  	s2 =	sld [smem:$0x3FD9]  }
0x89: {  	s3 =	sld [smem:$0x3FFE];
	_ =	sdelay $0x1  }
0x8a: {  	s1 =	srdreg.scid  }
0x8b: {  	s0 =	sand.u32 $0x1, s1  }
0x8c: {  	s17 =	sshll.u32 s0, $0xA;
	s2 =	sadd.s32 s3, s2  }
0x8d: {  	s2 =	sadd.s32 s2, s17  }
0x8e: {  	[smem:$0x3FC0] =	sst s2  }
0x8f: {  	_ = 	snop  }
0x90: {  	s2 =	sld [smem:$0x3FC8]  }
0x91: {  	s18 =	sld [smem:$0x3FD0];
	(tm) =	ssettm $0x1  }
0x92: {  	s4 =	sld [smem:$0x3FFB];
	_ =	sdelay $0x3  }
0x93: {  	_ =	strace s4  }
0x94: {  	s4 =	sld [smem:$0x3FFC];
	_ =	sdelay $0x3  }
0x95: {  	_ =	strace s4  }
0x96: {  	s4 =	sld [smem:$0x3FFD];
	_ =	sdelay $0x3  }
0x97: {  	_ =	strace s4  }
0x98: {  	_ =	strace $0x8FFFFFFF  }
0x99: {  	s19 =	sld [smem:$0x3FDB];
	_ =	sdelay $0x1  }
0x9a: {  	s5 =	simm.s32 $_scs_section_size  }
0x9b: {  	s6 =	simm.s32 $_size__tile_overlayer_lowered;
	s7 =	simm.s32 $_tile_overlayer_lowered  }
0x9c: {  	s22 =	simm.s32 $0x1BFF;
	s21 =	sshll.u32 s7, $0x1;
	s4 =	sadd.s32 s5, s19  }
0x9d: {  	s8 =	simm.s32 $0x0;
	s20 =	sshll.u32 s6, $0x1;
	s6 =	sadd.s32 s21, s4  }
0x9e: {  	[timem:s8], [sflag:s22] =	dma.local [hbm:s6], s20  }
0x9f: {  	_ =	swait.ge [sflag:s22], s20  }
0xa0: {  	s5 =	ssub.s32 $0x0, s20;
	[sflag:s22] =	ssyncset.done $0x0  }
0xa1: {  	[sflag:s22] =	ssyncadd.s32 s5;
	_ =	sdelay $0x1  }
0xa2: {  	s23 =	simm.s32 $0x1B8B  }
0xa3: {  	_ =	swait.ge [sflag:s23], $0x1  }
0xa4: {  	[sflag:s23] =	ssyncset.done $0x0  }
0xa5: {  	s25 =	simm.s32 $0x1B8E;
	s24 =	sld [smem:$0x3FFE];
	[sflag:s23] =	ssyncadd.s32 $0xFFFFFFFF  }
0xa6: {  	s26 =	simm.s32 $execute0_lowered;
	[smem:$0x3FD2] =	sst s25  }
0xa7: {  	s6 =	sshll.u32 s26, $0x1;
	_ =	strace $0x80000046;
	[dreg:$0x1] =	wrdreg $0xFFFFFFFF  }
0xa8: {  	s28 =	simm.s32 $_size_execute0_lowered;
	s4 =	sadd.s32 s4, s6;
	[dreg:$0x0] =	wrdreg $0x0  }
0xa9: {  	s6 =	sshll.u32 s28, $0x1;
	[dreg:$0x2] =	wrdreg s4  }
0xaa: {  	[dreg:$0x3] =	wrdreg s6  }
0xab: {  	[dreg:$0x4] =	wrdreg $0xC0  }
0xac: {  	_ =	task [dreg:s8], $0x5FFFF  }
0xad: {  	[dreg:$0x1] =	wrdreg $0xFFFFFFFF  }
0xae: {  	[dreg:$0x0] =	wrdreg $0x60  }
0xaf: {  	[dreg:$0x2] =	wrdreg s18  }
0xb0: {  	[dreg:$0x3] =	wrdreg s2  }
0xb1: {  	[dreg:$0x4] =	wrdreg s24  }
0xb2: {  	[dreg:$0x5] =	wrdreg $0xA3000  }
0xb3: {  	[dreg:$0x6] =	wrdreg $0x9  }
0xb4: {  	_ =	task.clear_ibuf [dreg:s8], $0x7FFFF;
	_ =	strace $0x90000046  }
0xb5: {  	s29 =	simm.s32 $0x9;
	_ =	strace $0x80000048  }
0xb6: {  	_ =	swait.ge [sflag:s29], $0x1  }
0xb7: {  	[sflag:s29] =	ssyncadd.s32 $0xFFFFFFFF  }
0xb8: {  	_ =	strace $0x90000048  }
0xb9: {  	_ =	sfence  }
0xba: {  	s30 =	sld [smem:$0x0];
	_ =	sdelay $0x2  }
0xbb: {  	s31 =	sshll.u32 s1, $0xD;
	s1 =	sshrl.u32 s1, $0x2  }
0xbc: {  	s3 =	sand.u32 $0x4000, s31;
	s1 =	sadd.s32 s1, s30  }
0xbd: {  	s0 =	sor.u32 s3, s0;
	s1 =	sshll.u32 s1, $0x11  }
0xbe: {  	s0 =	sor.u32 s1, s0  }
0xbf: {  	s0 =	sadd.s32 $0x8F2B, s0  }
0xc0: {  	[sflag:s0] =	ssyncadd.remote.s32 $0x1  }
0xc1: {  	_ =	sfence.sel $0xFFFF  }
0xc2: {  	[dreg:$0x0] =	wrdreg $0xFFFFFFFF;
	(pc) =	sbr.abs _section_cstart, $3  }
0xc3: {  	[dreg:$0x1] =	wrdreg $0xFFFFFFFF  }
0xc4: {  	_ =	task.clear_ibuf [dreg:s8], $0x2FFFF;
	_ =	strace $0x9FFFFFFF  }
0xc5: {  	(tm) =	ssettm $0x7FFFFFFF  }
tec
execute0_lowered:
.L_overlay_start_1:
0x0: {  	(tag) =	ssettag $0x1  }
0x1: {  	s1 =	rddreg [dreg:$0x0]  }
0x2: {  	s20 =	rddreg [dreg:$0x1]  }
0x3: {  	s0 =	rddreg [dreg:$0x2]  }
0x4: {  	s3 =	rddreg [dreg:$0x3];
	s4 =	simm.s32 $0x0;
	s5 =	srdreg.scid  }
0x5: {  	s2 =	stileid.u32;
	s28 =	simm.s32 $0x80;
	s30 =	simm.s32 $0x8  }
0x6: {  	s31 =	simm.s32 $0x1;
	s29 =	simm.s32 $0x2B00;
	s9 =	smul.u32 $0x50000, s2  }
0x7: {  	[smem:$0x7FF] =	sst s4;
	s5 =	sand.u32 $0x1, s5;
	s26 =	smul.u32 $0x14000, s2  }
0x8: {  	s6 =	sadd.s32 $0x11400, s0;
	s7 =	sadd.s32 $0x1A00, s0;
	s19 =	smul.u32 $0x140000, s5  }
0x9: {  	s0 =	sadd.s32 $0x30800, s0;
	_ =	strace $0x80000047;
	s25 =	smul.u32 $0x3E800, s5  }
0xa: {  	s8 =	sshll.u32 s5, $0x4;
	s10 =	ssub.s32 $0x2, s5;
	s5 =	smul.u32 $0x7D000, s5  }
0xb: {  	s8 =	sor.u32 s2, s8;
	s11 =	sshrl.u32 s10, $0x1;
	s9 =	sshrl.u32 s9, $0x2  }
0xc: {  	s13 =	sadd.s32 $0x4000, s26;
	s14 =	sadd.s32 $0x8000, s26;
	s24 =	sadd.s32 $0xC000, s26  }
0xd: {  	s12 =	smul.u32 $0x7D00, s8;
	s10 =	ssub.s32 s10, s11;
	s23 =	sadd.s32 s9, s3  }
0xe: {  	s8 =	smul.u32 $0x3E80, s8;
	s15 =	sadd.s32 s26, s19;
	s16 =	sadd.s32 s19, s13  }
0xf: {  	s17 =	sadd.s32 s19, s14;
	s9 =	sadd.s32 $0x10000, s26;
	s26 =	sadd.s32 s19, s24  }
0x10: {  	s24 =	sadd.s32 s24, s3;
	s18 =	sadd.s32 $0x2800, s23;
	s15 =	sshrl.u32 s15, $0x3  }
0x11: {  	s16 =	sshrl.u32 s16, $0x3;
	s17 =	sshrl.u32 s17, $0x3;
	[dreg:$0x6] =	wrdreg s23  }
0x12: {  	s10 =	smax.u32 s10, $0x1;
	[dreg:$0x7] =	wrdreg s18;
	s11 =	sshrl.u32 s12, $0x3  }
0x13: {  	s15 =	sadd.s32 s0, s15;
	s21 =	sadd.s32 s0, s16;
	[dreg:$0x10] =	wrdreg s10  }
0x14: {  	s22 =	sadd.s32 s0, s17;
	s12 =	sadd.s32 s19, s9;
	[dreg:$0x8] =	wrdreg s15  }
0x15: {  	s18 =	smul.u32 $0x3E80, s2;
	s17 =	sshrl.u32 s26, $0x3;
	[dreg:$0x9] =	wrdreg s21  }
0x16: {  	s8 =	sshrl.u32 s8, $0x3;
	s9 =	sadd.s32 s9, s3;
	[dreg:$0xa] =	wrdreg s22  }
0x17: {  	s12 =	sshrl.u32 s12, $0x3;
	s17 =	sadd.s32 s0, s17;
	s16 =	sadd.s32 s7, s8  }
0x18: {  	s21 =	sadd.s32 s13, s3;
	s22 =	sadd.s32 s14, s3;
	s13 =	sshrl.u32 s24, $0x3  }
0x19: {  	s14 =	sshrl.u32 s9, $0x3;
	s15 =	sadd.s32 $0x7800, s23;
	[dreg:$0xb] =	wrdreg s17  }
0x1a: {  	s9 =	simm.s32 $0x9;
	s8 =	simm.s32 $0xA;
	[dreg:$0x16] =	wrdreg s13  }
0x1b: {  	s0 =	sadd.s32 s0, s12;
	s12 =	smul.u32 $0x7D00, s2;
	[dreg:$0x17] =	wrdreg s14  }
0x1c: {  	s17 =	sadd.s32 s18, s25;
	s18 =	sadd.s32 $0x5000, s23;
	[dreg:$0x18] =	wrdreg s15  }
0x1d: {  	s2 =	sadd.s32 s6, s11;
	s10 =	sshrl.u32 s21, $0x3;
	[dreg:$0xf] =	wrdreg s16  }
0x1e: {  	s21 =	sadd.s32 $0x11800, s23;
	s24 =	sadd.s32 $0x10, s16;
	[dreg:$0xc] =	wrdreg s0  }
0x1f: {  	s11 =	simm.s32 $0x300;
	s14 =	simm.s32 $0xD;
	[dreg:$0xd] =	wrdreg s18  }
0x20: {  	s13 =	simm.s32 $0x200;
	s15 =	simm.s32 $0x280;
	[dreg:$0x14] =	wrdreg s10  }
0x21: {  	s19 =	sadd.s32 $0x180, s17;
	s26 =	sadd.s32 $0x100, s17;
	[dreg:$0x1c] =	wrdreg s21  }
0x22: {  	s17 =	sadd.s32 $0xA000, s23;
	s18 =	sadd.s32 $0xC800, s23;
	[dreg:$0x1e] =	wrdreg s24  }
0x23: {  	[dreg:$0xe] =	wrdreg s2;
	s24 =	simm.s32 $0x100;
	s10 =	simm.s32 $0xB  }
0x24: {  	s21 =	simm.s32 $0xC;
	s0 =	sadd.s32 s12, s5;
	[dreg:$0x11] =	wrdreg s26  }
0x25: {  	s5 =	sshrl.u32 s19, $0x3;
	s12 =	sshrl.u32 s22, $0x3;
	[dreg:$0x19] =	wrdreg s17  }
0x26: {  	[dreg:$0x1a] =	wrdreg s18;
	s19 =	sadd.s32 $0xF000, s23;
	s22 =	sadd.s32 $0x20, s2  }
0x27: {  	s26 =	sadd.s32 $0x7C0, s16;
	s18 =	simm.s32 $0x5;
	[dreg:$0x15] =	wrdreg s12  }
0x28: {  	s16 =	simm.s32 $0x7;
	s17 =	simm.s32 $0x4;
	[dreg:$0x1b] =	wrdreg s19  }
0x29: {  	s5 =	sadd.s32 s5, s7;
	s25 =	sadd.s32 $0x300, s0;
	[dreg:$0x1d] =	wrdreg s22  }
0x2a: {  	s0 =	sadd.s32 $0x200, s0;
	[smem:$0x7FD] =	sst s26;
	s22 =	simm.s32 $0x50  }
0x2b: {  	s12 =	simm.s32 $0x0;
	s26 =	simm.s32 $0x5;
	[dreg:$0x5] =	wrdreg s5  }
0x2c: {  	s5 =	sshrl.u32 s25, $0x3;
	[dreg:$0x12] =	wrdreg s0;
	s25 =	sadd.s32 $0xF80, s2  }
0x2d: {  	s0 =	simm.s32 $0x3;
	s5 =	sadd.s32 s5, s6;
	[dreg:$0x1f] =	wrdreg s25  }
0x2e: {  	v0 =	vimm.f32 $0.0e+00;
	s25 =	simm.s32 $0x6;
	[dreg:$0x13] =	wrdreg s5;
	s5 =	simm.s32 $0x2  }
.LBB2_1:
0x2f: {  	[smem:$0x7FC] =	sst s12;
	s12 =	simm.s32 $0x0;
	s19 =	simm.s32 $0x200  }
.LBB2_2:
0x30: {  	p0 =	sne.s32 s19, $0x9E00;
	[tilespmem:s12+$0x370] =	vst v0  }
0x31: {  	[tilespmem:s12+$0x300] =	vst v0  }
0x32: {  	[tilespmem:s12+$0x310] =	vst v0  }
.Ltmp0:
0x33: {  	[tilespmem:s12+$0x320] =	vst v0;
	(pc) =	sbr.rel @p0 .LBB2_2-.Ltmp0, $4  }
0x34: {  	[tilespmem:s12+$0x330] =	vst v0  }
0x35: {  	[tilespmem:s12+$0x340] =	vst v0  }
0x36: {  	[tilespmem:s12+$0x350] =	vst v0  }
0x37: {  	[tilespmem:s12+$0x360] =	vst v0;
	s12 =	sshra.s32 s19, $0x2;
	s19 =	sadd.s32 $0x200, s19  }
0x38: {  	[tilespmem:s12+$0x370] =	vst v0  }
0x39: {  	[tilespmem:s12+$0x300] =	vst v0  }
0x3a: {  	[tilespmem:s12+$0x310] =	vst v0  }
0x3b: {  	[tilespmem:s12+$0x320] =	vst v0  }
0x3c: {  	[tilespmem:s12+$0x330] =	vst v0  }
0x3d: {  	[tilespmem:s12+$0x340] =	vst v0  }
0x3e: {  	[tilespmem:s12+$0x350] =	vst v0  }
0x3f: {  	[tilespmem:s12+$0x360] =	vst v0  }
0x40: {  	[spmem:s23] =	stream.linear.scatter [tilespmem:s11], [sflag:$0xD], $0x2800, $0x38;
	[tilespmem:$0x1E300] =	vst v63  }
0x41: {  	_ =	swait.ge [sflag:s14], $0x2800  }
0x42: {  	[sflag:s14] =	ssyncset.done $0x0  }
0x43: {  	s2 =	rddreg [dreg:$0x7];
	[sflag:s14] =	ssyncadd.s32 $0xFFFFD800  }
0x44: {  	[spmem:s2] =	stream.linear.scatter [tilespmem:s11], [sflag:$0xD], $0x2800, $0x38;
	[tilespmem:$0x1E300] =	vst v63  }
0x45: {  	_ =	swait.ge [sflag:s14], $0x2800  }
0x46: {  	[sflag:s14] =	ssyncset.done $0x0  }
0x47: {  	s19 =	rddreg [dreg:$0xd];
	[sflag:s14] =	ssyncadd.s32 $0xFFFFD800  }
0x48: {  	[spmem:s19] =	stream.linear.scatter [tilespmem:s11], [sflag:$0xD], $0x2800, $0x38;
	[tilespmem:$0x1E300] =	vst v63  }
0x49: {  	_ =	swait.ge [sflag:s14], $0x2800  }
0x4a: {  	[sflag:s14] =	ssyncset.done $0x0  }
0x4b: {  	s23 =	rddreg [dreg:$0x18];
	[sflag:s14] =	ssyncadd.s32 $0xFFFFD800  }
0x4c: {  	[spmem:s23] =	stream.linear.scatter [tilespmem:s11], [sflag:$0xD], $0x2800, $0x38;
	[tilespmem:$0x1E300] =	vst v63  }
0x4d: {  	_ =	swait.ge [sflag:s14], $0x2800  }
0x4e: {  	[sflag:s14] =	ssyncset.done $0x0  }
0x4f: {  	s12 =	rddreg [dreg:$0x19];
	[sflag:s14] =	ssyncadd.s32 $0xFFFFD800  }
0x50: {  	[spmem:s12] =	stream.linear.scatter [tilespmem:s11], [sflag:$0xD], $0x2800, $0x38;
	[tilespmem:$0x1E300] =	vst v63  }
0x51: {  	_ =	swait.ge [sflag:s14], $0x2800  }
0x52: {  	[sflag:s14] =	ssyncset.done $0x0  }
0x53: {  	s19 =	rddreg [dreg:$0x1a];
	[sflag:s14] =	ssyncadd.s32 $0xFFFFD800  }
0x54: {  	[spmem:s19] =	stream.linear.scatter [tilespmem:s11], [sflag:$0xD], $0x2800, $0x38;
	[tilespmem:$0x1E300] =	vst v63  }
0x55: {  	_ =	swait.ge [sflag:s14], $0x2800  }
0x56: {  	[sflag:s14] =	ssyncset.done $0x0  }
0x57: {  	s23 =	rddreg [dreg:$0x1b];
	[sflag:s14] =	ssyncadd.s32 $0xFFFFD800  }
0x58: {  	[spmem:s23] =	stream.linear.scatter [tilespmem:s11], [sflag:$0xD], $0x2800, $0x38;
	[tilespmem:$0x1E300] =	vst v63  }
0x59: {  	_ =	swait.ge [sflag:s14], $0x2800  }
0x5a: {  	[sflag:s14] =	ssyncset.done $0x0  }
0x5b: {  	s12 =	rddreg [dreg:$0x1c];
	[sflag:s14] =	ssyncadd.s32 $0xFFFFD800  }
0x5c: {  	[spmem:s12] =	stream.linear.scatter [tilespmem:s11], [sflag:$0xD], $0x2800, $0x38;
	[tilespmem:$0x1E300] =	vst v63  }
0x5d: {  	_ =	swait.ge [sflag:s14], $0x2800  }
0x5e: {  	[sflag:s14] =	ssyncset.done $0x0  }
0x5f: {  	[sflag:s14] =	ssyncadd.s32 $0xFFFFD800  }
0x60: {  	[bflag:$0x0] =	sbarrier.arrive $0xFFFF  }
0x61: {  	s12 =	simm.s32 $0x0;
	s19 =	rddreg [dreg:$0xe]  }
0x62: {  	[tilespmem:s12], [sflag:$0x5] =	stream.linear.gather [hbm4b:s19+s12], $0x100, $0x38;
	[tilespmem:$0x1E300] =	vst v63  }
0x63: {  	s23 =	rddreg [dreg:$0xf]  }
0x64: {  	[tilespmem:s13], [sflag:$0x7] =	stream.linear.gather [hbm4b:s23+s12], $0x80, $0x38;
	[tilespmem:$0x1E300] =	vst v63  }
0x65: {  	s14 =	rddreg [dreg:$0x1d]  }
0x66: {  	[tilespmem:s24], [sflag:$0x6] =	stream.linear.gather [hbm4b:s14+s12], $0x100, $0x38;
	[tilespmem:$0x1E300] =	vst v63  }
0x67: {  	s19 =	rddreg [dreg:$0x1e]  }
0x68: {  	[tilespmem:s15], [sflag:$0x8] =	stream.linear.gather [hbm4b:s19+s12], $0x80, $0x38;
	[tilespmem:$0x1E300] =	vst v63  }
0x69: {  	_ =	swait.ge [sflag:s18], $0x100  }
0x6a: {  	[sflag:s18] =	ssyncset.done $0x0  }
0x6b: {  	[sflag:s18] =	ssyncadd.s32 $0xFFFFFF00  }
0x6c: {  	[tilespmem:s11], [sflag:$0x1] =	stream.indirect.gather [hbm4b:s1+s22], $0x80, s12, s22, $0xb8;
	[tilespmem:$0x1E300] =	vst v63  }
0x6d: {  	s2 =	simm.s32 $0x5300  }
0x6e: {  	[tilespmem:s2], [sflag:$0x3] =	stream.indirect.gather [hbm4b:s20+s22], $0x80, s28, s22, $0xb8;
	[tilespmem:$0x1E300] =	vst v63  }
0x6f: {  	_ =	swait.ge [sflag:s25], $0x100  }
0x70: {  	[sflag:s25] =	ssyncset.done $0x0  }
0x71: {  	[sflag:s25] =	ssyncadd.s32 $0xFFFFFF00  }
0x72: {  	[tilespmem:s29], [sflag:$0x2] =	stream.indirect.gather [hbm4b:s1+s22], $0x80, s24, s22, $0xb8;
	[tilespmem:$0x1E300] =	vst v63  }
0x73: {  	s13 =	simm.s32 $0x7B00;
	s11 =	simm.s32 $0x180  }
0x74: {  	[tilespmem:s13], [sflag:$0x4] =	stream.indirect.gather [hbm4b:s20+s22], $0x80, s11, s22, $0xb8;
	[tilespmem:$0x1E300] =	vst v63  }
0x75: {  	_ =	swait.ge [sflag:s16], $0x80  }
0x76: {  	[sflag:s16] =	ssyncset.done $0x0  }
0x77: {  	[sflag:s16] =	ssyncadd.s32 $0xFFFFFF80  }
0x78: {  	_ =	swait.ge [sflag:s30], $0x80  }
0x79: {  	[sflag:s30] =	ssyncset.done $0x0  }
0x7a: {  	[sflag:s30] =	ssyncadd.s32 $0xFFFFFF80  }
0x7b: {  	_ =	swait.ge [sflag:s31], $0x2800  }
0x7c: {  	[sflag:s31] =	ssyncset.done $0x0  }
0x7d: {  	[sflag:s31] =	ssyncadd.s32 $0xFFFFD800  }
0x7e: {  	_ =	swait.ge [sflag:s0], $0x2800  }
0x7f: {  	s28 =	rddreg [dreg:$0x12]  }
0x80: {  	[sflag:s0] =	ssyncset.done $0x0;
	s23 =	sshrl.u32 s28, $0x3  }
0x81: {  	[sflag:s0] =	ssyncadd.s32 $0xFFFFD800;
	s12 =	sadd.s32 s6, s23  }
0x82: {  	[tilespmem:s4], [sflag:$0x5] =	stream.linear.gather [hbm4b:s12+s4], $0x100, $0x38;
	[tilespmem:$0x1E300] =	vst v63  }
0x83: {  	s14 =	simm.s32 $0x300;
	s15 =	simm.s32 $0x200  }
0x84: {  	[spmem:s3] =	stream.indirect.scatter.add.f32 [tilespmem:s14], [sflag:$0x9], $0x80, s15, s22, $0xb8;
	[tilespmem:$0x1E300] =	vst v63  }
0x85: {  	_ = 	snop  }
0x86: {  	[spmem:s3] =	stream.indirect.scatter.add.f32 [tilespmem:s2], [sflag:$0xB], $0x80, s15, s22, $0xb8;
	[tilespmem:$0x1E300] =	vst v63  }
0x87: {  	_ =	swait.ge [sflag:s5], $0x2800  }
0x88: {  	[sflag:s5] =	ssyncset.done $0x0  }
0x89: {  	[sflag:s5] =	ssyncadd.s32 $0xFFFFD800  }
0x8a: {  	_ =	swait.ge [sflag:s17], $0x2800  }
0x8b: {  	[sflag:s17] =	ssyncset.done $0x0  }
0x8c: {  	s24 =	simm.s32 $0x100;
	s19 =	rddreg [dreg:$0x13];
	[sflag:s17] =	ssyncadd.s32 $0xFFFFD800  }
0x8d: {  	[tilespmem:s24], [sflag:$0x6] =	stream.linear.gather [hbm4b:s19+s4], $0x100, $0x38;
	[tilespmem:$0x1E300] =	vst v63  }
0x8e: {  	s18 =	simm.s32 $0x280  }
0x8f: {  	[spmem:s3] =	stream.indirect.scatter.add.f32 [tilespmem:s29], [sflag:$0xA], $0x80, s18, s22, $0xb8;
	[tilespmem:$0x1E300] =	vst v63  }
0x90: {  	_ = 	snop  }
0x91: {  	[spmem:s3] =	stream.indirect.scatter.add.f32 [tilespmem:s13], [sflag:$0xC], $0x80, s18, s22, $0xb8;
	[tilespmem:$0x1E300] =	vst v63  }
0x92: {  	_ =	swait.ge [sflag:s9], $0x2800  }
0x93: {  	[sflag:s9] =	ssyncset.done $0x0  }
0x94: {  	[sflag:s9] =	ssyncadd.s32 $0xFFFFD800  }
0x95: {  	_ =	swait.ge [sflag:s10], $0x2800  }
0x96: {  	s23 =	rddreg [dreg:$0x11]  }
0x97: {  	[sflag:s10] =	ssyncset.done $0x0;
	s12 =	sshrl.u32 s23, $0x3  }
0x98: {  	[sflag:s10] =	ssyncadd.s32 $0xFFFFD800;
	s12 =	sadd.s32 s7, s12  }
0x99: {  	[tilespmem:s15], [sflag:$0x7] =	stream.linear.gather [hbm4b:s12+s4], $0x80, $0x38;
	[tilespmem:$0x1E300] =	vst v63  }
0x9a: {  	_ =	swait.ge [sflag:s26], $0x100  }
0x9b: {  	[sflag:s26] =	ssyncset.done $0x0  }
0x9c: {  	[sflag:s26] =	ssyncadd.s32 $0xFFFFFF00  }
0x9d: {  	[tilespmem:s14], [sflag:$0x1] =	stream.indirect.gather [hbm4b:s1+s22], $0x80, s4, s22, $0xb8;
	[tilespmem:$0x1E300] =	vst v63  }
0x9e: {  	s12 =	simm.s32 $0x80  }
0x9f: {  	[tilespmem:s2], [sflag:$0x3] =	stream.indirect.gather [hbm4b:s20+s22], $0x80, s12, s22, $0xb8;
	[tilespmem:$0x1E300] =	vst v63  }
0xa0: {  	_ =	swait.ge [sflag:s8], $0x2800  }
0xa1: {  	[sflag:s8] =	ssyncset.done $0x0  }
0xa2: {  	[sflag:s8] =	ssyncadd.s32 $0xFFFFD800  }
0xa3: {  	_ =	swait.ge [sflag:s21], $0x2800  }
0xa4: {  	s2 =	rddreg [dreg:$0x5];
	[sflag:s21] =	ssyncset.done $0x0  }
0xa5: {  	[sflag:s21] =	ssyncadd.s32 $0xFFFFD800;
	s12 =	sadd.s32 $0x0, s2  }
0xa6: {  	[tilespmem:s18], [sflag:$0x8] =	stream.linear.gather [hbm4b:s12+s4], $0x80, $0x38;
	[tilespmem:$0x1E300] =	vst v63  }
0xa7: {  	_ =	swait.ge [sflag:s25], $0x100  }
0xa8: {  	[sflag:s25] =	ssyncset.done $0x0  }
0xa9: {  	[sflag:s25] =	ssyncadd.s32 $0xFFFFFF00  }
0xaa: {  	[tilespmem:s29], [sflag:$0x2] =	stream.indirect.gather [hbm4b:s1+s22], $0x80, s24, s22, $0xb8;
	[tilespmem:$0x1E300] =	vst v63  }
0xab: {  	_ = 	snop  }
0xac: {  	[tilespmem:s13], [sflag:$0x4] =	stream.indirect.gather [hbm4b:s20+s22], $0x80, s11, s22, $0xb8;
	[tilespmem:$0x1E300] =	vst v63  }
0xad: {  	_ =	swait.ge [sflag:s16], $0x80  }
0xae: {  	s19 =	sadd.s32 $0x40, s19;
	s2 =	smov.u32 s1;
	[sflag:s16] =	ssyncset.done $0x0  }
0xaf: {  	s12 =	smov.u32 s23;
	s23 =	smov.u32 s28;
	[sflag:s16] =	ssyncadd.s32 $0xFFFFFF80  }
0xb0: {  	s11 =	smov.u32 s7;
	s7 =	smov.u32 s6;
	_ =	swait.ge [sflag:s30], $0x80  }
0xb1: {  	s6 =	smov.u32 s20;
	s20 =	simm.s32 $0x20;
	[sflag:s30] =	ssyncset.done $0x0  }
.LBB2_4:
0xb2: {  	[sflag:s30] =	ssyncadd.s32 $0xFFFFFF80  }
0xb3: {  	_ =	swait.ge [sflag:s31], $0x2800  }
0xb4: {  	[sflag:s31] =	ssyncset.done $0x0  }
0xb5: {  	[sflag:s31] =	ssyncadd.s32 $0xFFFFD800  }
0xb6: {  	s23 =	sadd.s32 $0x200, s23;
	_ =	swait.ge [sflag:s0], $0x2800  }
0xb7: {  	s1 =	sshrl.u32 s23, $0x3;
	[sflag:s0] =	ssyncset.done $0x0  }
0xb8: {  	s1 =	sadd.s32 s7, s1;
	[sflag:s0] =	ssyncadd.s32 $0xFFFFD800  }
0xb9: {  	[tilespmem:s4], [sflag:$0x5] =	stream.linear.gather [hbm4b:s1+s4], $0x100, $0x38;
	[tilespmem:$0x1E300] =	vst v63  }
0xba: {  	_ = 	snop  }
0xbb: {  	[spmem:s3] =	stream.indirect.scatter.add.f32 [tilespmem:s14], [sflag:$0x9], $0x80, s15, s22, $0xb8;
	[tilespmem:$0x1E300] =	vst v63  }
0xbc: {  	s25 =	simm.s32 $0x5300  }
0xbd: {  	[spmem:s3] =	stream.indirect.scatter.add.f32 [tilespmem:s25], [sflag:$0xB], $0x80, s15, s22, $0xb8;
	[tilespmem:$0x1E300] =	vst v63  }
0xbe: {  	_ =	swait.ge [sflag:s5], $0x2800  }
0xbf: {  	[sflag:s5] =	ssyncset.done $0x0  }
0xc0: {  	[sflag:s5] =	ssyncadd.s32 $0xFFFFD800  }
0xc1: {  	_ =	swait.ge [sflag:s17], $0x2800  }
0xc2: {  	[sflag:s17] =	ssyncset.done $0x0  }
0xc3: {  	[sflag:s17] =	ssyncadd.s32 $0xFFFFD800  }
0xc4: {  	[tilespmem:s24], [sflag:$0x6] =	stream.linear.gather [hbm4b:s19+s4], $0x100, $0x38;
	[tilespmem:$0x1E300] =	vst v63  }
0xc5: {  	_ = 	snop  }
0xc6: {  	[spmem:s3] =	stream.indirect.scatter.add.f32 [tilespmem:s29], [sflag:$0xA], $0x80, s18, s22, $0xb8;
	[tilespmem:$0x1E300] =	vst v63  }
0xc7: {  	_ = 	snop  }
0xc8: {  	[spmem:s3] =	stream.indirect.scatter.add.f32 [tilespmem:s13], [sflag:$0xC], $0x80, s18, s22, $0xb8;
	[tilespmem:$0x1E300] =	vst v63  }
0xc9: {  	_ =	swait.ge [sflag:s9], $0x2800  }
0xca: {  	[sflag:s9] =	ssyncset.done $0x0  }
0xcb: {  	[sflag:s9] =	ssyncadd.s32 $0xFFFFD800  }
0xcc: {  	s12 =	sadd.s32 $0x100, s12;
	_ =	swait.ge [sflag:s10], $0x2800  }
0xcd: {  	s1 =	sshrl.u32 s12, $0x3;
	[sflag:s10] =	ssyncset.done $0x0  }
0xce: {  	s1 =	sadd.s32 s11, s1;
	[sflag:s10] =	ssyncadd.s32 $0xFFFFD800  }
0xcf: {  	[tilespmem:s15], [sflag:$0x7] =	stream.linear.gather [hbm4b:s1+s4], $0x80, $0x38;
	[tilespmem:$0x1E300] =	vst v63  }
0xd0: {  	_ =	swait.ge [sflag:s26], $0x100  }
0xd1: {  	[sflag:s26] =	ssyncset.done $0x0  }
0xd2: {  	[sflag:s26] =	ssyncadd.s32 $0xFFFFFF00  }
0xd3: {  	[tilespmem:s14], [sflag:$0x1] =	stream.indirect.gather [hbm4b:s2+s22], $0x80, s4, s22, $0xb8;
	[tilespmem:$0x1E300] =	vst v63  }
0xd4: {  	s1 =	simm.s32 $0x80  }
0xd5: {  	[tilespmem:s25], [sflag:$0x3] =	stream.indirect.gather [hbm4b:s6+s22], $0x80, s1, s22, $0xb8;
	[tilespmem:$0x1E300] =	vst v63  }
0xd6: {  	_ =	swait.ge [sflag:s8], $0x2800  }
0xd7: {  	[sflag:s8] =	ssyncset.done $0x0  }
0xd8: {  	[sflag:s8] =	ssyncadd.s32 $0xFFFFD800  }
0xd9: {  	_ =	swait.ge [sflag:s21], $0x2800  }
0xda: {  	s28 =	smov.u32 s20;
	s1 =	rddreg [dreg:$0x5];
	[sflag:s21] =	ssyncset.done $0x0  }
0xdb: {  	s25 =	simm.s32 $0x6;
	[sflag:s21] =	ssyncadd.s32 $0xFFFFD800;
	s1 =	sadd.s32 s28, s1  }
0xdc: {  	[tilespmem:s18], [sflag:$0x8] =	stream.linear.gather [hbm4b:s1+s4], $0x80, $0x38;
	[tilespmem:$0x1E300] =	vst v63  }
0xdd: {  	_ =	swait.ge [sflag:s25], $0x100  }
0xde: {  	[sflag:s25] =	ssyncset.done $0x0  }
0xdf: {  	[sflag:s25] =	ssyncadd.s32 $0xFFFFFF00  }
0xe0: {  	[tilespmem:s29], [sflag:$0x2] =	stream.indirect.gather [hbm4b:s2+s22], $0x80, s24, s22, $0xb8;
	[tilespmem:$0x1E300] =	vst v63  }
0xe1: {  	p0 =	sne.s32 s20, $0x780;
	s28 =	simm.s32 $0x180  }
0xe2: {  	[tilespmem:s13], [sflag:$0x4] =	stream.indirect.gather [hbm4b:s6+s22], $0x80, s28, s22, $0xb8;
	[tilespmem:$0x1E300] =	vst v63  }
.Ltmp1:
0xe3: {  	_ =	swait.ge [sflag:s16], $0x80;
	(pc) =	sbr.rel @p0 .LBB2_4-.Ltmp1, $4  }
0xe4: {  	[sflag:s16] =	ssyncset.done $0x0  }
0xe5: {  	[sflag:s16] =	ssyncadd.s32 $0xFFFFFF80  }
0xe6: {  	_ =	swait.ge [sflag:s30], $0x80  }
0xe7: {  	s20 =	sadd.s32 $0x20, s20;
	s19 =	sadd.s32 $0x40, s19;
	[sflag:s30] =	ssyncset.done $0x0  }
0xe8: {  	[sflag:s30] =	ssyncadd.s32 $0xFFFFFF80  }
0xe9: {  	_ =	swait.ge [sflag:s31], $0x2800  }
0xea: {  	[sflag:s31] =	ssyncset.done $0x0  }
0xeb: {  	[sflag:s31] =	ssyncadd.s32 $0xFFFFD800  }
0xec: {  	_ =	swait.ge [sflag:s0], $0x2800  }
0xed: {  	[sflag:s0] =	ssyncset.done $0x0  }
0xee: {  	s1 =	rddreg [dreg:$0x1f];
	[sflag:s0] =	ssyncadd.s32 $0xFFFFD800  }
0xef: {  	[tilespmem:s4], [sflag:$0x5] =	stream.linear.gather [hbm4b:s1+s4], $0x100, $0x38;
	[tilespmem:$0x1E300] =	vst v63  }
0xf0: {  	_ = 	snop  }
0xf1: {  	[spmem:s3] =	stream.indirect.scatter.add.f32 [tilespmem:s14], [sflag:$0x9], $0x80, s15, s22, $0xb8;
	[tilespmem:$0x1E300] =	vst v63  }
0xf2: {  	s12 =	simm.s32 $0x5300  }
0xf3: {  	[spmem:s3] =	stream.indirect.scatter.add.f32 [tilespmem:s12], [sflag:$0xB], $0x80, s15, s22, $0xb8;
	[tilespmem:$0x1E300] =	vst v63  }
0xf4: {  	_ =	swait.ge [sflag:s5], $0x2800  }
0xf5: {  	[sflag:s5] =	ssyncset.done $0x0  }
0xf6: {  	[sflag:s5] =	ssyncadd.s32 $0xFFFFD800  }
0xf7: {  	_ =	swait.ge [sflag:s17], $0x2800  }
0xf8: {  	[sflag:s17] =	ssyncset.done $0x0  }
0xf9: {  	[sflag:s17] =	ssyncadd.s32 $0xFFFFD800  }
0xfa: {  	[spmem:s3] =	stream.indirect.scatter.add.f32 [tilespmem:s29], [sflag:$0xA], $0x80, s18, s22, $0xb8;
	[tilespmem:$0x1E300] =	vst v63  }
0xfb: {  	_ = 	snop  }
0xfc: {  	[spmem:s3] =	stream.indirect.scatter.add.f32 [tilespmem:s13], [sflag:$0xC], $0x80, s18, s22, $0xb8;
	[tilespmem:$0x1E300] =	vst v63  }
0xfd: {  	_ =	swait.ge [sflag:s9], $0x2800  }
0xfe: {  	[sflag:s9] =	ssyncset.done $0x0  }
0xff: {  	[sflag:s9] =	ssyncadd.s32 $0xFFFFD800  }
0x100: {  	_ =	swait.ge [sflag:s10], $0x2800  }
0x101: {  	s23 =	sld [smem:$0x7FD]  }
0x102: {  	[sflag:s10] =	ssyncset.done $0x0  }
0x103: {  	[sflag:s10] =	ssyncadd.s32 $0xFFFFD800  }
0x104: {  	[tilespmem:s15], [sflag:$0x7] =	stream.linear.gather [hbm4b:s23+s4], $0x80, $0x38;
	[tilespmem:$0x1E300] =	vst v63  }
0x105: {  	_ =	swait.ge [sflag:s26], $0x100  }
0x106: {  	[sflag:s26] =	ssyncset.done $0x0  }
0x107: {  	[sflag:s26] =	ssyncadd.s32 $0xFFFFFF00  }
0x108: {  	[tilespmem:s14], [sflag:$0x1] =	stream.indirect.gather [hbm4b:s2+s22], $0x80, s4, s22, $0xb8;
	[tilespmem:$0x1E300] =	vst v63  }
0x109: {  	s24 =	simm.s32 $0x80  }
0x10a: {  	[tilespmem:s12], [sflag:$0x3] =	stream.indirect.gather [hbm4b:s6+s22], $0x80, s24, s22, $0xb8;
	[tilespmem:$0x1E300] =	vst v63  }
0x10b: {  	_ =	swait.ge [sflag:s8], $0x2800  }
0x10c: {  	[sflag:s8] =	ssyncset.done $0x0  }
0x10d: {  	[sflag:s8] =	ssyncadd.s32 $0xFFFFD800  }
0x10e: {  	_ =	swait.ge [sflag:s21], $0x2800  }
0x10f: {  	[sflag:s21] =	ssyncset.done $0x0  }
0x110: {  	[sflag:s21] =	ssyncadd.s32 $0xFFFFD800  }
0x111: {  	_ =	swait.ge [sflag:s16], $0x80  }
0x112: {  	[sflag:s16] =	ssyncset.done $0x0  }
0x113: {  	[sflag:s16] =	ssyncadd.s32 $0xFFFFFF80  }
0x114: {  	_ =	swait.ge [sflag:s31], $0x2800  }
0x115: {  	[sflag:s31] =	ssyncset.done $0x0  }
0x116: {  	[sflag:s31] =	ssyncadd.s32 $0xFFFFD800  }
0x117: {  	_ =	swait.ge [sflag:s0], $0x2800  }
0x118: {  	[sflag:s0] =	ssyncset.done $0x0  }
0x119: {  	[sflag:s0] =	ssyncadd.s32 $0xFFFFD800  }
0x11a: {  	[spmem:s3] =	stream.indirect.scatter.add.f32 [tilespmem:s14], [sflag:$0x9], $0x80, s15, s22, $0xb8;
	[tilespmem:$0x1E300] =	vst v63  }
0x11b: {  	_ = 	snop  }
0x11c: {  	[spmem:s3] =	stream.indirect.scatter.add.f32 [tilespmem:s12], [sflag:$0xB], $0x80, s15, s22, $0xb8;
	[tilespmem:$0x1E300] =	vst v63  }
0x11d: {  	_ =	swait.ge [sflag:s9], $0x2800  }
0x11e: {  	[sflag:s9] =	ssyncset.done $0x0  }
0x11f: {  	[sflag:s9] =	ssyncadd.s32 $0xFFFFD800  }
0x120: {  	_ =	swait.ge [sflag:s10], $0x2800  }
0x121: {  	[sflag:s10] =	ssyncset.done $0x0  }
0x122: {  	[sflag:s10] =	ssyncadd.s32 $0xFFFFD800  }
0x123: {  	s13 =	stileid.u32;
	[bflag:$0x0] =	sbarrier.arrive $0xFFFF  }
0x124: {  	s1 =	sshll.u32 s13, $0x6;
	s23 =	rddreg [dreg:$0x6]  }
0x125: {  	s1 =	sor.u32 $0x1C0D, s1;
	s19 =	rddreg [dreg:$0x8];
	s14 =	sshrl.u32 s23, $0x3  }
0x126: {  	[hbm:s19], [sflag:s1] =	dma.local [spmem:s14], $0x800  }
0x127: {  	s14 =	simm.s32 $0xD  }
0x128: {  	_ =	swait.ge [sflag:s14], $0x800  }
0x129: {  	[sflag:s14] =	ssyncset.done $0x0;
	s15 =	rddreg [dreg:$0x9]  }
0x12a: {  	s18 =	rddreg [dreg:$0x14];
	[sflag:s14] =	ssyncadd.s32 $0xFFFFF800  }
0x12b: {  	[hbm:s15], [sflag:s1] =	dma.local [spmem:s18], $0x800  }
0x12c: {  	_ =	swait.ge [sflag:s14], $0x800  }
0x12d: {  	[sflag:s14] =	ssyncset.done $0x0;
	s19 =	rddreg [dreg:$0xa]  }
0x12e: {  	s20 =	rddreg [dreg:$0x15];
	[sflag:s14] =	ssyncadd.s32 $0xFFFFF800  }
0x12f: {  	[hbm:s19], [sflag:s1] =	dma.local [spmem:s20], $0x800  }
0x130: {  	_ =	swait.ge [sflag:s14], $0x800  }
0x131: {  	[sflag:s14] =	ssyncset.done $0x0;
	s24 =	rddreg [dreg:$0xb]  }
0x132: {  	s13 =	rddreg [dreg:$0x16];
	[sflag:s14] =	ssyncadd.s32 $0xFFFFF800  }
0x133: {  	[hbm:s24], [sflag:s1] =	dma.local [spmem:s13], $0x800  }
0x134: {  	_ =	swait.ge [sflag:s14], $0x800  }
0x135: {  	[sflag:s14] =	ssyncset.done $0x0;
	s15 =	rddreg [dreg:$0xc]  }
0x136: {  	s18 =	rddreg [dreg:$0x17];
	[sflag:s14] =	ssyncadd.s32 $0xFFFFF800  }
0x137: {  	[hbm:s15], [sflag:s1] =	dma.local [spmem:s18], $0x800  }
0x138: {  	_ =	swait.ge [sflag:s14], $0x800  }
0x139: {  	s20 =	sld [smem:$0x7FC];
	_ =	sdelay $0x2  }
0x13a: {  	s24 =	rddreg [dreg:$0x10];
	s12 =	sadd.s32 $0x1, s20  }
0x13b: {  	p0 =	sne.s32 s12, s24  }
.Ltmp2:
0x13c: {  	_ = 	snop;
	(pc) =	sbr.rel @p0 .LBB2_1-.Ltmp2, $4  }
0x13d: {  	s28 =	simm.s32 $0x80;
	s13 =	simm.s32 $0x200;
	s1 =	smov.u32 s2  }
0x13e: {  	s15 =	simm.s32 $0x280;
	s18 =	simm.s32 $0x5;
	[sflag:s14] =	ssyncset.done $0x0  }
0x13f: {  	[sflag:s14] =	ssyncadd.s32 $0xFFFFF800;
	s20 =	smov.u32 s6;
	s6 =	smov.u32 s7  }
0x140: {  	s7 =	smov.u32 s11;
	s11 =	simm.s32 $0x300;
	s24 =	simm.s32 $0x100  }
0x141: {  	_ =	sfence.sel $0x180000  }
0x142: {  	[bflag:$0x0] =	sbarrier.arrive $0xFFFF  }
0x143: {  	_ =	strace $0x90000047  }
0x144: {  	s0 =	stileid.u32;
	[bflag:$0x2] =	sbarrier.arrive $0xFFFF  }
0x145: {  	p0 =	sne.s32 s0, $0x0;
	s0 =	rddreg [dreg:$0x4]  }
0x146: {  	s0 =	sadd.s32 @!p0 $0x100000, s0  }
0x147: {  	[sflag:s0] =	ssyncadd.tile.s32 @!p0 $0x1;
	_ =	shalt  }
.Lfunc_end2:
_tile_overlayer_lowered:
.L_overlay_start_2:
0x148: {  	(tag) =	ssettag $0x2  }
0x149: {  	s0 =	rddreg [dreg:$0x0];
	s2 =	stileid.u32  }
0x14a: {  	s1 =	rddreg [dreg:$0x1];
	p0 =	sne.s32 s2, $0x0  }
0x14b: {  	s3 =	rddreg [dreg:$0x2];
	[bflag:$0x3] =	sbarrier.arrive $0xFFFF;
	s2 =	simm.s32 @!p0 $0x1C0D  }
0x14c: {  	[timem:s3], [sflag:s2] =	dma.local @!p0 [hbm:s0], s1  }
0x14d: {  	s0 =	simm.s32 @!p0 $0xD  }
0x14e: {  	_ =	swait.ge @!p0 [sflag:s0], s1  }
0x14f: {  	s1 =	ssub.s32 @!p0 $0x0, s1;
	[sflag:s0] =	ssyncset.done @!p0 $0x0  }
0x150: {  	[sflag:s0] =	ssyncadd.s32 @!p0 s1  }
0x151: {  	[bflag:$0x3] =	sbarrier.arrive $0xFFFF  }
0x152: {  	_ =	shalt  }

</sc_bundles>
